<compile_context>
chip_gen: v7x
topology: tpu7x:2x2x1
jax: 0.10.2.dev20260603
libtpu: 0.0.44.dev20260713+nightly
codegen_flags: <defaults>
</compile_context>

<pallas_src>
import functools

import jax
import jax.numpy as jnp
from jax import lax
from jax.experimental import pallas as pl
from jax.experimental.pallas import tpu as pltpu
from jax.experimental.pallas import tpu_sc as plsc

_NUM_CORES = 2
_NUM_SUBCORES = 16
_NUM_WORKERS = _NUM_CORES * _NUM_SUBCORES


def kernel(x, table):
    (batch,) = x.shape
    _, dim = table.shape
    b_per_w = batch // _NUM_WORKERS

    idx = x.astype(jnp.int32)
    mesh = plsc.VectorSubcoreMesh(
        core_axis_name="c", subcore_axis_name="s",
        num_cores=_NUM_CORES, num_subcores=_NUM_SUBCORES)

    @functools.partial(
        pl.kernel,
        out_type=jax.ShapeDtypeStruct((batch, dim), table.dtype),
        mesh=mesh,
        scratch_types=[
            pltpu.VMEM((b_per_w,), jnp.int32),
            pltpu.VMEM((b_per_w, dim), jnp.float32),
            pltpu.SemaphoreType.DMA,
        ],
    )
    def emb(idx_hbm, table_hbm, out_hbm, idx_v, rows_v, sem):
        wid = lax.axis_index("s") * _NUM_CORES + lax.axis_index("c")
        base = wid * b_per_w
        pltpu.sync_copy(idx_hbm.at[pl.ds(base, b_per_w)], idx_v)

        def body(j, carry):
            for g in range(4):
                v = idx_v[pl.ds(j * 64 + g * 16, 16)]
                for k in range(16):
                    r = v[k]
                    pltpu.make_async_copy(
                        table_hbm.at[pl.ds(r, 1), :],
                        rows_v.at[pl.ds(j * 64 + g * 16 + k, 1), :],
                        sem).start()
            return carry

        lax.fori_loop(0, b_per_w // 64, body, 0)
        pltpu.make_async_copy(
            table_hbm.at[pl.ds(0, b_per_w), :], rows_v, sem).wait()
        pltpu.sync_copy(rows_v, out_hbm.at[pl.ds(base, b_per_w), :])

    return emb(idx, table)

# --- scband reference (transcript-rebuilt; emitter-appended) ---
"""Pipeline reference for scband-cell-type-embedding-5102421148245 (READ-ONLY COPY).

The authoritative reference and input builder live on the scoring server;
editing this copy changes nothing except your own understanding.
"""

import jax, jax.numpy as jnp
import numpy as np

NUM_CLASSES = 100000
EMBED_DIM = 64
BATCH = 16384


def setup_inputs(seed: int = 0) -> dict:
    key = jax.random.key(seed)
    k_idx, k_tab = jax.random.split(key)
    x = jax.random.randint(k_idx, (BATCH,), 0, NUM_CLASSES, dtype=jnp.int64 if jax.config.jax_enable_x64 else jnp.int32)
    table = jax.random.normal(k_tab, (NUM_CLASSES, EMBED_DIM), dtype=jnp.float32)
    return {"x": x, "table": table}


def reference(x, table):
    # nn.Embedding forward: gather rows of the embedding table
    return jnp.take(table, x, axis=0)

if __name__ == "__main__":
    import jax
    _d = setup_inputs()
    print(jax.jit(kernel)(*tuple(_d.values())))

</pallas_src>

<mosaic_0001>
#map = affine_map<(d0, d1) -> (0)>
#map1 = affine_map<(d0, d1) -> (0, 0)>
module attributes {stable_mosaic.version = 14 : i64} {
  func.func @emb(%arg0: i32, %arg1: i32, %arg2: memref<16384xi32, #tpu.memory_space<hbm>>, %arg3: memref<100000x64xf32, #tpu.memory_space<hbm>>, %arg4: memref<16384x64xf32, #tpu.memory_space<hbm>>, %arg5: memref<512xi32, #tpu.memory_space<vmem>>, %arg6: memref<512x64xf32, #tpu.memory_space<vmem>>, %arg7: memref<!tpu.dma_semaphore, #tpu.memory_space<semaphore_mem>>) attributes {dimension_semantics = [#tpu.dimension_semantics<core_parallel>, #tpu.dimension_semantics<subcore_parallel>], iteration_bounds = array<i64: 2, 16>, scalar_prefetch = 0 : i64, scratch_operands = 3 : i64, tpu.core_type = #tpu.core_type<sc_vector_subcore>, window_params = [{transform_indices = #map}, {transform_indices = #map1}, {transform_indices = #map1}]} {
    %mul3A = arith.constant 2 : i32
    %mul3A_0 = arith.muli %arg1, %mul3A : i32
    %add3A = arith.addi %mul3A_0, %arg0 : i32
    %mul3A_1 = arith.constant 512 : i32
    %mul3A_2 = arith.muli %add3A, %mul3A_1 : i32
    "tpu.region"() ({
      %run_scoped3A = tpu.sem_alloc : memref<!tpu.dma_semaphore, #tpu.memory_space<semaphore_mem>>
      %dma_start3A = tpu.memref_slice %arg2[%mul3A_2] : memref<16384xi32, #tpu.memory_space<hbm>> -> memref<512xi32, #tpu.memory_space<hbm>>
      %dma_start3A_13 = tpu.memref_slice %arg2[%mul3A_2] : memref<16384xi32, #tpu.memory_space<hbm>> -> memref<512xi32, #tpu.memory_space<hbm>>
      tpu.enqueue_dma source(%dma_start3A_13 : memref<512xi32, #tpu.memory_space<hbm>>) target(%arg5 : memref<512xi32, #tpu.memory_space<vmem>>) target_semaphore(%run_scoped3A : memref<!tpu.dma_semaphore, #tpu.memory_space<semaphore_mem>>)
      %dma_wait3A_14 = tpu.memref_slice %arg2[%mul3A_2] : memref<16384xi32, #tpu.memory_space<hbm>> -> memref<512xi32, #tpu.memory_space<hbm>>
      %dma_wait3A_15 = tpu.memref_slice %arg2[%mul3A_2] : memref<16384xi32, #tpu.memory_space<hbm>> -> memref<512xi32, #tpu.memory_space<hbm>>
      tpu.wait_dma2 semaphore(%run_scoped3A : memref<!tpu.dma_semaphore, #tpu.memory_space<semaphore_mem>>) src(%dma_wait3A_15 : memref<512xi32, #tpu.memory_space<hbm>>) dst(%arg5 : memref<512xi32, #tpu.memory_space<vmem>>)
      tpu.yield
    }) : () -> ()
    %scan3A = arith.constant 0 : i32
    %scan3A_3 = arith.constant 0 : i32
    %scan3A_4 = arith.constant 8 : i32
    %scan3A_5 = arith.addi %scan3A_3, %scan3A_4 : i32
    %scan3A_6 = arith.constant 1 : i32
    scf.for %scan3A_13 = %scan3A_3 to %scan3A_5 step %scan3A_6  : i32 {
      %mul3A_14 = arith.constant 64 : i32
      %mul3A_15 = arith.muli %scan3A_13, %mul3A_14 : i32
      %add3A_16 = arith.constant 0 : i32
      %add3A_17 = arith.addi %mul3A_15, %add3A_16 : i32
      %get3A = arith.index_cast %add3A_17 : i32 to index
      %get3A_18 = tpu.vector_load %arg5[%get3A] {strides = array<i32>} : memref<512xi32, #tpu.memory_space<vmem>>, vector<16xi32>,
      %get3A_19 = vector.shape_cast %get3A_18 : vector<16xi32> to vector<16xi32>
      %slice3A = vector.extract_strided_slice %get3A_19 {offsets = [0], sizes = [1], strides = [1]} : vector<16xi32> to vector<1xi32>
      %squeeze3A = vector.extract %slice3A[0] : i32 from vector<1xi32>
      %mul3A_20 = arith.constant 64 : i32
      %mul3A_21 = arith.muli %scan3A_13, %mul3A_20 : i32
      %add3A_22 = arith.constant 0 : i32
      %add3A_23 = arith.addi %mul3A_21, %add3A_22 : i32
      %add3A_24 = arith.constant 0 : i32
      %add3A_25 = arith.addi %add3A_23, %add3A_24 : i32
      %dma_start3A = arith.constant 0 : i32
      %dma_start3A_26 = tpu.memref_slice %arg6[%add3A_25, %dma_start3A] : memref<512x64xf32, #tpu.memory_space<vmem>> -> memref<1x64xf32, #tpu.memory_space<vmem>>
      %dma_start3A_27 = arith.constant 0 : i32
      %dma_start3A_28 = tpu.memref_slice %arg3[%squeeze3A, %dma_start3A_27] : memref<100000x64xf32, #tpu.memory_space<hbm>> -> memref<1x64xf32, #tpu.memory_space<hbm>>
      %dma_start3A_29 = arith.constant 0 : i32
      %dma_start3A_30 = tpu.memref_slice %arg6[%add3A_25, %dma_start3A_29] : memref<512x64xf32, #tpu.memory_space<vmem>> -> memref<1x64xf32, #tpu.memory_space<vmem>>
      %dma_start3A_31 = arith.constant 0 : i32
      %dma_start3A_32 = tpu.memref_slice %arg3[%squeeze3A, %dma_start3A_31] : memref<100000x64xf32, #tpu.memory_space<hbm>> -> memref<1x64xf32, #tpu.memory_space<hbm>>
      tpu.enqueue_dma source(%dma_start3A_32 : memref<1x64xf32, #tpu.memory_space<hbm>>) target(%dma_start3A_30 : memref<1x64xf32, #tpu.memory_space<vmem>>) target_semaphore(%arg7 : memref<!tpu.dma_semaphore, #tpu.memory_space<semaphore_mem>>)
      %slice3A_33 = vector.extract_strided_slice %get3A_19 {offsets = [1], sizes = [1], strides = [1]} : vector<16xi32> to vector<1xi32>
      %squeeze3A_34 = vector.extract %slice3A_33[0] : i32 from vector<1xi32>
      %mul3A_35 = arith.constant 64 : i32
      %mul3A_36 = arith.muli %scan3A_13, %mul3A_35 : i32
      %add3A_37 = arith.constant 0 : i32
      %add3A_38 = arith.addi %mul3A_36, %add3A_37 : i32
      %add3A_39 = arith.constant 1 : i32
      %add3A_40 = arith.addi %add3A_38, %add3A_39 : i32
      %dma_start3A_41 = arith.constant 0 : i32
      %dma_start3A_42 = tpu.memref_slice %arg6[%add3A_40, %dma_start3A_41] : memref<512x64xf32, #tpu.memory_space<vmem>> -> memref<1x64xf32, #tpu.memory_space<vmem>>
      %dma_start3A_43 = arith.constant 0 : i32
      %dma_start3A_44 = tpu.memref_slice %arg3[%squeeze3A_34, %dma_start3A_43] : memref<100000x64xf32, #tpu.memory_space<hbm>> -> memref<1x64xf32, #tpu.memory_space<hbm>>
      %dma_start3A_45 = arith.constant 0 : i32
      %dma_start3A_46 = tpu.memref_slice %arg6[%add3A_40, %dma_start3A_45] : memref<512x64xf32, #tpu.memory_space<vmem>> -> memref<1x64xf32, #tpu.memory_space<vmem>>
      %dma_start3A_47 = arith.constant 0 : i32
      %dma_start3A_48 = tpu.memref_slice %arg3[%squeeze3A_34, %dma_start3A_47] : memref<100000x64xf32, #tpu.memory_space<hbm>> -> memref<1x64xf32, #tpu.memory_space<hbm>>
      tpu.enqueue_dma source(%dma_start3A_48 : memref<1x64xf32, #tpu.memory_space<hbm>>) target(%dma_start3A_46 : memref<1x64xf32, #tpu.memory_space<vmem>>) target_semaphore(%arg7 : memref<!tpu.dma_semaphore, #tpu.memory_space<semaphore_mem>>)
      %slice3A_49 = vector.extract_strided_slice %get3A_19 {offsets = [2], sizes = [1], strides = [1]} : vector<16xi32> to vector<1xi32>
      %squeeze3A_50 = vector.extract %slice3A_49[0] : i32 from vector<1xi32>
      %mul3A_51 = arith.constant 64 : i32
      %mul3A_52 = arith.muli %scan3A_13, %mul3A_51 : i32
      %add3A_53 = arith.constant 0 : i32
      %add3A_54 = arith.addi %mul3A_52, %add3A_53 : i32
      %add3A_55 = arith.constant 2 : i32
      %add3A_56 = arith.addi %add3A_54, %add3A_55 : i32
      %dma_start3A_57 = arith.constant 0 : i32
      %dma_start3A_58 = tpu.memref_slice %arg6[%add3A_56, %dma_start3A_57] : memref<512x64xf32, #tpu.memory_space<vmem>> -> memref<1x64xf32, #tpu.memory_space<vmem>>
      %dma_start3A_59 = arith.constant 0 : i32
      %dma_start3A_60 = tpu.memref_slice %arg3[%squeeze3A_50, %dma_start3A_59] : memref<100000x64xf32, #tpu.memory_space<hbm>> -> memref<1x64xf32, #tpu.memory_space<hbm>>
      %dma_start3A_61 = arith.constant 0 : i32
      %dma_start3A_62 = tpu.memref_slice %arg6[%add3A_56, %dma_start3A_61] : memref<512x64xf32, #tpu.memory_space<vmem>> -> memref<1x64xf32, #tpu.memory_space<vmem>>
      %dma_start3A_63 = arith.constant 0 : i32
      %dma_start3A_64 = tpu.memref_slice %arg3[%squeeze3A_50, %dma_start3A_63] : memref<100000x64xf32, #tpu.memory_space<hbm>> -> memref<1x64xf32, #tpu.memory_space<hbm>>
      tpu.enqueue_dma source(%dma_start3A_64 : memref<1x64xf32, #tpu.memory_space<hbm>>) target(%dma_start3A_62 : memref<1x64xf32, #tpu.memory_space<vmem>>) target_semaphore(%arg7 : memref<!tpu.dma_semaphore, #tpu.memory_space<semaphore_mem>>)
      %slice3A_65 = vector.extract_strided_slice %get3A_19 {offsets = [3], sizes = [1], strides = [1]} : vector<16xi32> to vector<1xi32>
      %squeeze3A_66 = vector.extract %slice3A_65[0] : i32 from vector<1xi32>
      %mul3A_67 = arith.constant 64 : i32
      %mul3A_68 = arith.muli %scan3A_13, %mul3A_67 : i32
      %add3A_69 = arith.constant 0 : i32
      %add3A_70 = arith.addi %mul3A_68, %add3A_69 : i32
      %add3A_71 = arith.constant 3 : i32
      %add3A_72 = arith.addi %add3A_70, %add3A_71 : i32
      %dma_start3A_73 = arith.constant 0 : i32
      %dma_start3A_74 = tpu.memref_slice %arg6[%add3A_72, %dma_start3A_73] : memref<512x64xf32, #tpu.memory_space<vmem>> -> memref<1x64xf32, #tpu.memory_space<vmem>>
      %dma_start3A_75 = arith.constant 0 : i32
      %dma_start3A_76 = tpu.memref_slice %arg3[%squeeze3A_66, %dma_start3A_75] : memref<100000x64xf32, #tpu.memory_space<hbm>> -> memref<1x64xf32, #tpu.memory_space<hbm>>
      %dma_start3A_77 = arith.constant 0 : i32
      %dma_start3A_78 = tpu.memref_slice %arg6[%add3A_72, %dma_start3A_77] : memref<512x64xf32, #tpu.memory_space<vmem>> -> memref<1x64xf32, #tpu.memory_space<vmem>>
      %dma_start3A_79 = arith.constant 0 : i32
      %dma_start3A_80 = tpu.memref_slice %arg3[%squeeze3A_66, %dma_start3A_79] : memref<100000x64xf32, #tpu.memory_space<hbm>> -> memref<1x64xf32, #tpu.memory_space<hbm>>
      tpu.enqueue_dma source(%dma_start3A_80 : memref<1x64xf32, #tpu.memory_space<hbm>>) target(%dma_start3A_78 : memref<1x64xf32, #tpu.memory_space<vmem>>) target_semaphore(%arg7 : memref<!tpu.dma_semaphore, #tpu.memory_space<semaphore_mem>>)
      %slice3A_81 = vector.extract_strided_slice %get3A_19 {offsets = [4], sizes = [1], strides = [1]} : vector<16xi32> to vector<1xi32>
      %squeeze3A_82 = vector.extract %slice3A_81[0] : i32 from vector<1xi32>
      %mul3A_83 = arith.constant 64 : i32
      %mul3A_84 = arith.muli %scan3A_13, %mul3A_83 : i32
      %add3A_85 = arith.constant 0 : i32
      %add3A_86 = arith.addi %mul3A_84, %add3A_85 : i32
      %add3A_87 = arith.constant 4 : i32
      %add3A_88 = arith.addi %add3A_86, %add3A_87 : i32
      %dma_start3A_89 = arith.constant 0 : i32
      %dma_start3A_90 = tpu.memref_slice %arg6[%add3A_88, %dma_start3A_89] : memref<512x64xf32, #tpu.memory_space<vmem>> -> memref<1x64xf32, #tpu.memory_space<vmem>>
      %dma_start3A_91 = arith.constant 0 : i32
      %dma_start3A_92 = tpu.memref_slice %arg3[%squeeze3A_82, %dma_start3A_91] : memref<100000x64xf32, #tpu.memory_space<hbm>> -> memref<1x64xf32, #tpu.memory_space<hbm>>
      %dma_start3A_93 = arith.constant 0 : i32
      %dma_start3A_94 = tpu.memref_slice %arg6[%add3A_88, %dma_start3A_93] : memref<512x64xf32, #tpu.memory_space<vmem>> -> memref<1x64xf32, #tpu.memory_space<vmem>>
      %dma_start3A_95 = arith.constant 0 : i32
      %dma_start3A_96 = tpu.memref_slice %arg3[%squeeze3A_82, %dma_start3A_95] : memref<100000x64xf32, #tpu.memory_space<hbm>> -> memref<1x64xf32, #tpu.memory_space<hbm>>
      tpu.enqueue_dma source(%dma_start3A_96 : memref<1x64xf32, #tpu.memory_space<hbm>>) target(%dma_start3A_94 : memref<1x64xf32, #tpu.memory_space<vmem>>) target_semaphore(%arg7 : memref<!tpu.dma_semaphore, #tpu.memory_space<semaphore_mem>>)
      %slice3A_97 = vector.extract_strided_slice %get3A_19 {offsets = [5], sizes = [1], strides = [1]} : vector<16xi32> to vector<1xi32>
      %squeeze3A_98 = vector.extract %slice3A_97[0] : i32 from vector<1xi32>
      %mul3A_99 = arith.constant 64 : i32
      %mul3A_100 = arith.muli %scan3A_13, %mul3A_99 : i32
      %add3A_101 = arith.constant 0 : i32
      %add3A_102 = arith.addi %mul3A_100, %add3A_101 : i32
      %add3A_103 = arith.constant 5 : i32
      %add3A_104 = arith.addi %add3A_102, %add3A_103 : i32
      %dma_start3A_105 = arith.constant 0 : i32
      %dma_start3A_106 = tpu.memref_slice %arg6[%add3A_104, %dma_start3A_105] : memref<512x64xf32, #tpu.memory_space<vmem>> -> memref<1x64xf32, #tpu.memory_space<vmem>>
      %dma_start3A_107 = arith.constant 0 : i32
      %dma_start3A_108 = tpu.memref_slice %arg3[%squeeze3A_98, %dma_start3A_107] : memref<100000x64xf32, #tpu.memory_space<hbm>> -> memref<1x64xf32, #tpu.memory_space<hbm>>
      %dma_start3A_109 = arith.constant 0 : i32
      %dma_start3A_110 = tpu.memref_slice %arg6[%add3A_104, %dma_start3A_109] : memref<512x64xf32, #tpu.memory_space<vmem>> -> memref<1x64xf32, #tpu.memory_space<vmem>>
      %dma_start3A_111 = arith.constant 0 : i32
      %dma_start3A_112 = tpu.memref_slice %arg3[%squeeze3A_98, %dma_start3A_111] : memref<100000x64xf32, #tpu.memory_space<hbm>> -> memref<1x64xf32, #tpu.memory_space<hbm>>
      tpu.enqueue_dma source(%dma_start3A_112 : memref<1x64xf32, #tpu.memory_space<hbm>>) target(%dma_start3A_110 : memref<1x64xf32, #tpu.memory_space<vmem>>) target_semaphore(%arg7 : memref<!tpu.dma_semaphore, #tpu.memory_space<semaphore_mem>>)
      %slice3A_113 = vector.extract_strided_slice %get3A_19 {offsets = [6], sizes = [1], strides = [1]} : vector<16xi32> to vector<1xi32>
      %squeeze3A_114 = vector.extract %slice3A_113[0] : i32 from vector<1xi32>
      %mul3A_115 = arith.constant 64 : i32
      %mul3A_116 = arith.muli %scan3A_13, %mul3A_115 : i32
      %add3A_117 = arith.constant 0 : i32
      %add3A_118 = arith.addi %mul3A_116, %add3A_117 : i32
      %add3A_119 = arith.constant 6 : i32
      %add3A_120 = arith.addi %add3A_118, %add3A_119 : i32
      %dma_start3A_121 = arith.constant 0 : i32
      %dma_start3A_122 = tpu.memref_slice %arg6[%add3A_120, %dma_start3A_121] : memref<512x64xf32, #tpu.memory_space<vmem>> -> memref<1x64xf32, #tpu.memory_space<vmem>>
      %dma_start3A_123 = arith.constant 0 : i32
      %dma_start3A_124 = tpu.memref_slice %arg3[%squeeze3A_114, %dma_start3A_123] : memref<100000x64xf32, #tpu.memory_space<hbm>> -> memref<1x64xf32, #tpu.memory_space<hbm>>
      %dma_start3A_125 = arith.constant 0 : i32
      %dma_start3A_126 = tpu.memref_slice %arg6[%add3A_120, %dma_start3A_125] : memref<512x64xf32, #tpu.memory_space<vmem>> -> memref<1x64xf32, #tpu.memory_space<vmem>>
      %dma_start3A_127 = arith.constant 0 : i32
      %dma_start3A_128 = tpu.memref_slice %arg3[%squeeze3A_114, %dma_start3A_127] : memref<100000x64xf32, #tpu.memory_space<hbm>> -> memref<1x64xf32, #tpu.memory_space<hbm>>
      tpu.enqueue_dma source(%dma_start3A_128 : memref<1x64xf32, #tpu.memory_space<hbm>>) target(%dma_start3A_126 : memref<1x64xf32, #tpu.memory_space<vmem>>) target_semaphore(%arg7 : memref<!tpu.dma_semaphore, #tpu.memory_space<semaphore_mem>>)
      %slice3A_129 = vector.extract_strided_slice %get3A_19 {offsets = [7], sizes = [1], strides = [1]} : vector<16xi32> to vector<1xi32>
      %squeeze3A_130 = vector.extract %slice3A_129[0] : i32 from vector<1xi32>
      %mul3A_131 = arith.constant 64 : i32
      %mul3A_132 = arith.muli %scan3A_13, %mul3A_131 : i32
      %add3A_133 = arith.constant 0 : i32
      %add3A_134 = arith.addi %mul3A_132, %add3A_133 : i32
      %add3A_135 = arith.constant 7 : i32
      %add3A_136 = arith.addi %add3A_134, %add3A_135 : i32
      %dma_start3A_137 = arith.constant 0 : i32
      %dma_start3A_138 = tpu.memref_slice %arg6[%add3A_136, %dma_start3A_137] : memref<512x64xf32, #tpu.memory_space<vmem>> -> memref<1x64xf32, #tpu.memory_space<vmem>>
      %dma_start3A_139 = arith.constant 0 : i32
      %dma_start3A_140 = tpu.memref_slice %arg3[%squeeze3A_130, %dma_start3A_139] : memref<100000x64xf32, #tpu.memory_space<hbm>> -> memref<1x64xf32, #tpu.memory_space<hbm>>
      %dma_start3A_141 = arith.constant 0 : i32
      %dma_start3A_142 = tpu.memref_slice %arg6[%add3A_136, %dma_start3A_141] : memref<512x64xf32, #tpu.memory_space<vmem>> -> memref<1x64xf32, #tpu.memory_space<vmem>>
      %dma_start3A_143 = arith.constant 0 : i32
      %dma_start3A_144 = tpu.memref_slice %arg3[%squeeze3A_130, %dma_start3A_143] : memref<100000x64xf32, #tpu.memory_space<hbm>> -> memref<1x64xf32, #tpu.memory_space<hbm>>
      tpu.enqueue_dma source(%dma_start3A_144 : memref<1x64xf32, #tpu.memory_space<hbm>>) target(%dma_start3A_142 : memref<1x64xf32, #tpu.memory_space<vmem>>) target_semaphore(%arg7 : memref<!tpu.dma_semaphore, #tpu.memory_space<semaphore_mem>>)
      %slice3A_145 = vector.extract_strided_slice %get3A_19 {offsets = [8], sizes = [1], strides = [1]} : vector<16xi32> to vector<1xi32>
      %squeeze3A_146 = vector.extract %slice3A_145[0] : i32 from vector<1xi32>
      %mul3A_147 = arith.constant 64 : i32
      %mul3A_148 = arith.muli %scan3A_13, %mul3A_147 : i32
      %add3A_149 = arith.constant 0 : i32
      %add3A_150 = arith.addi %mul3A_148, %add3A_149 : i32
      %add3A_151 = arith.constant 8 : i32
      %add3A_152 = arith.addi %add3A_150, %add3A_151 : i32
      %dma_start3A_153 = arith.constant 0 : i32
      %dma_start3A_154 = tpu.memref_slice %arg6[%add3A_152, %dma_start3A_153] : memref<512x64xf32, #tpu.memory_space<vmem>> -> memref<1x64xf32, #tpu.memory_space<vmem>>
      %dma_start3A_155 = arith.constant 0 : i32
      %dma_start3A_156 = tpu.memref_slice %arg3[%squeeze3A_146, %dma_start3A_155] : memref<100000x64xf32, #tpu.memory_space<hbm>> -> memref<1x64xf32, #tpu.memory_space<hbm>>
      %dma_start3A_157 = arith.constant 0 : i32
      %dma_start3A_158 = tpu.memref_slice %arg6[%add3A_152, %dma_start3A_157] : memref<512x64xf32, #tpu.memory_space<vmem>> -> memref<1x64xf32, #tpu.memory_space<vmem>>
      %dma_start3A_159 = arith.constant 0 : i32
      %dma_start3A_160 = tpu.memref_slice %arg3[%squeeze3A_146, %dma_start3A_159] : memref<100000x64xf32, #tpu.memory_space<hbm>> -> memref<1x64xf32, #tpu.memory_space<hbm>>
      tpu.enqueue_dma source(%dma_start3A_160 : memref<1x64xf32, #tpu.memory_space<hbm>>) target(%dma_start3A_158 : memref<1x64xf32, #tpu.memory_space<vmem>>) target_semaphore(%arg7 : memref<!tpu.dma_semaphore, #tpu.memory_space<semaphore_mem>>)
      %slice3A_161 = vector.extract_strided_slice %get3A_19 {offsets = [9], sizes = [1], strides = [1]} : vector<16xi32> to vector<1xi32>
      %squeeze3A_162 = vector.extract %slice3A_161[0] : i32 from vector<1xi32>
      %mul3A_163 = arith.constant 64 : i32
      %mul3A_164 = arith.muli %scan3A_13, %mul3A_163 : i32
      %add3A_165 = arith.constant 0 : i32
      %add3A_166 = arith.addi %mul3A_164, %add3A_165 : i32
      %add3A_167 = arith.constant 9 : i32
      %add3A_168 = arith.addi %add3A_166, %add3A_167 : i32
      %dma_start3A_169 = arith.constant 0 : i32
      %dma_start3A_170 = tpu.memref_slice %arg6[%add3A_168, %dma_start3A_169] : memref<512x64xf32, #tpu.memory_space<vmem>> -> memref<1x64xf32, #tpu.memory_space<vmem>>
      %dma_start3A_171 = arith.constant 0 : i32
      %dma_start3A_172 = tpu.memref_slice %arg3[%squeeze3A_162, %dma_start3A_171] : memref<100000x64xf32, #tpu.memory_space<hbm>> -> memref<1x64xf32, #tpu.memory_space<hbm>>
      %dma_start3A_173 = arith.constant 0 : i32
      %dma_start3A_174 = tpu.memref_slice %arg6[%add3A_168, %dma_start3A_173] : memref<512x64xf32, #tpu.memory_space<vmem>> -> memref<1x64xf32, #tpu.memory_space<vmem>>
      %dma_start3A_175 = arith.constant 0 : i32
      %dma_start3A_176 = tpu.memref_slice %arg3[%squeeze3A_162, %dma_start3A_175] : memref<100000x64xf32, #tpu.memory_space<hbm>> -> memref<1x64xf32, #tpu.memory_space<hbm>>
      tpu.enqueue_dma source(%dma_start3A_176 : memref<1x64xf32, #tpu.memory_space<hbm>>) target(%dma_start3A_174 : memref<1x64xf32, #tpu.memory_space<vmem>>) target_semaphore(%arg7 : memref<!tpu.dma_semaphore, #tpu.memory_space<semaphore_mem>>)
      %slice3A_177 = vector.extract_strided_slice %get3A_19 {offsets = [10], sizes = [1], strides = [1]} : vector<16xi32> to vector<1xi32>
      %squeeze3A_178 = vector.extract %slice3A_177[0] : i32 from vector<1xi32>
      %mul3A_179 = arith.constant 64 : i32
      %mul3A_180 = arith.muli %scan3A_13, %mul3A_179 : i32
      %add3A_181 = arith.constant 0 : i32
      %add3A_182 = arith.addi %mul3A_180, %add3A_181 : i32
      %add3A_183 = arith.constant 10 : i32
      %add3A_184 = arith.addi %add3A_182, %add3A_183 : i32
      %dma_start3A_185 = arith.constant 0 : i32
      %dma_start3A_186 = tpu.memref_slice %arg6[%add3A_184, %dma_start3A_185] : memref<512x64xf32, #tpu.memory_space<vmem>> -> memref<1x64xf32, #tpu.memory_space<vmem>>
      %dma_start3A_187 = arith.constant 0 : i32
      %dma_start3A_188 = tpu.memref_slice %arg3[%squeeze3A_178, %dma_start3A_187] : memref<100000x64xf32, #tpu.memory_space<hbm>> -> memref<1x64xf32, #tpu.memory_space<hbm>>
      %dma_start3A_189 = arith.constant 0 : i32
      %dma_start3A_190 = tpu.memref_slice %arg6[%add3A_184, %dma_start3A_189] : memref<512x64xf32, #tpu.memory_space<vmem>> -> memref<1x64xf32, #tpu.memory_space<vmem>>
      %dma_start3A_191 = arith.constant 0 : i32
      %dma_start3A_192 = tpu.memref_slice %arg3[%squeeze3A_178, %dma_start3A_191] : memref<100000x64xf32, #tpu.memory_space<hbm>> -> memref<1x64xf32, #tpu.memory_space<hbm>>
      tpu.enqueue_dma source(%dma_start3A_192 : memref<1x64xf32, #tpu.memory_space<hbm>>) target(%dma_start3A_190 : memref<1x64xf32, #tpu.memory_space<vmem>>) target_semaphore(%arg7 : memref<!tpu.dma_semaphore, #tpu.memory_space<semaphore_mem>>)
      %slice3A_193 = vector.extract_strided_slice %get3A_19 {offsets = [11], sizes = [1], strides = [1]} : vector<16xi32> to vector<1xi32>
      %squeeze3A_194 = vector.extract %slice3A_193[0] : i32 from vector<1xi32>
      %mul3A_195 = arith.constant 64 : i32
      %mul3A_196 = arith.muli %scan3A_13, %mul3A_195 : i32
      %add3A_197 = arith.constant 0 : i32
      %add3A_198 = arith.addi %mul3A_196, %add3A_197 : i32
      %add3A_199 = arith.constant 11 : i32
      %add3A_200 = arith.addi %add3A_198, %add3A_199 : i32
      %dma_start3A_201 = arith.constant 0 : i32
      %dma_start3A_202 = tpu.memref_slice %arg6[%add3A_200, %dma_start3A_201] : memref<512x64xf32, #tpu.memory_space<vmem>> -> memref<1x64xf32, #tpu.memory_space<vmem>>
      %dma_start3A_203 = arith.constant 0 : i32
      %dma_start3A_204 = tpu.memref_slice %arg3[%squeeze3A_194, %dma_start3A_203] : memref<100000x64xf32, #tpu.memory_space<hbm>> -> memref<1x64xf32, #tpu.memory_space<hbm>>
      %dma_start3A_205 = arith.constant 0 : i32
      %dma_start3A_206 = tpu.memref_slice %arg6[%add3A_200, %dma_start3A_205] : memref<512x64xf32, #tpu.memory_space<vmem>> -> memref<1x64xf32, #tpu.memory_space<vmem>>
      %dma_start3A_207 = arith.constant 0 : i32
      %dma_start3A_208 = tpu.memref_slice %arg3[%squeeze3A_194, %dma_start3A_207] : memref<100000x64xf32, #tpu.memory_space<hbm>> -> memref<1x64xf32, #tpu.memory_space<hbm>>
      tpu.enqueue_dma source(%dma_start3A_208 : memref<1x64xf32, #tpu.memory_space<hbm>>) target(%dma_start3A_206 : memref<1x64xf32, #tpu.memory_space<vmem>>) target_semaphore(%arg7 : memref<!tpu.dma_semaphore, #tpu.memory_space<semaphore_mem>>)
      %slice3A_209 = vector.extract_strided_slice %get3A_19 {offsets = [12], sizes = [1], strides = [1]} : vector<16xi32> to vector<1xi32>
      %squeeze3A_210 = vector.extract %slice3A_209[0] : i32 from vector<1xi32>
      %mul3A_211 = arith.constant 64 : i32
      %mul3A_212 = arith.muli %scan3A_13, %mul3A_211 : i32
      %add3A_213 = arith.constant 0 : i32
      %add3A_214 = arith.addi %mul3A_212, %add3A_213 : i32
      %add3A_215 = arith.constant 12 : i32
      %add3A_216 = arith.addi %add3A_214, %add3A_215 : i32
      %dma_start3A_217 = arith.constant 0 : i32
      %dma_start3A_218 = tpu.memref_slice %arg6[%add3A_216, %dma_start3A_217] : memref<512x64xf32, #tpu.memory_space<vmem>> -> memref<1x64xf32, #tpu.memory_space<vmem>>
      %dma_start3A_219 = arith.constant 0 : i32
      %dma_start3A_220 = tpu.memref_slice %arg3[%squeeze3A_210, %dma_start3A_219] : memref<100000x64xf32, #tpu.memory_space<hbm>> -> memref<1x64xf32, #tpu.memory_space<hbm>>
      %dma_start3A_221 = arith.constant 0 : i32
      %dma_start3A_222 = tpu.memref_slice %arg6[%add3A_216, %dma_start3A_221] : memref<512x64xf32, #tpu.memory_space<vmem>> -> memref<1x64xf32, #tpu.memory_space<vmem>>
      %dma_start3A_223 = arith.constant 0 : i32
      %dma_start3A_224 = tpu.memref_slice %arg3[%squeeze3A_210, %dma_start3A_223] : memref<100000x64xf32, #tpu.memory_space<hbm>> -> memref<1x64xf32, #tpu.memory_space<hbm>>
      tpu.enqueue_dma source(%dma_start3A_224 : memref<1x64xf32, #tpu.memory_space<hbm>>) target(%dma_start3A_222 : memref<1x64xf32, #tpu.memory_space<vmem>>) target_semaphore(%arg7 : memref<!tpu.dma_semaphore, #tpu.memory_space<semaphore_mem>>)
      %slice3A_225 = vector.extract_strided_slice %get3A_19 {offsets = [13], sizes = [1], strides = [1]} : vector<16xi32> to vector<1xi32>
      %squeeze3A_226 = vector.extract %slice3A_225[0] : i32 from vector<1xi32>
      %mul3A_227 = arith.constant 64 : i32
      %mul3A_228 = arith.muli %scan3A_13, %mul3A_227 : i32
      %add3A_229 = arith.constant 0 : i32
      %add3A_230 = arith.addi %mul3A_228, %add3A_229 : i32
      %add3A_231 = arith.constant 13 : i32
      %add3A_232 = arith.addi %add3A_230, %add3A_231 : i32
      %dma_start3A_233 = arith.constant 0 : i32
      %dma_start3A_234 = tpu.memref_slice %arg6[%add3A_232, %dma_start3A_233] : memref<512x64xf32, #tpu.memory_space<vmem>> -> memref<1x64xf32, #tpu.memory_space<vmem>>
      %dma_start3A_235 = arith.constant 0 : i32
      %dma_start3A_236 = tpu.memref_slice %arg3[%squeeze3A_226, %dma_start3A_235] : memref<100000x64xf32, #tpu.memory_space<hbm>> -> memref<1x64xf32, #tpu.memory_space<hbm>>
      %dma_start3A_237 = arith.constant 0 : i32
      %dma_start3A_238 = tpu.memref_slice %arg6[%add3A_232, %dma_start3A_237] : memref<512x64xf32, #tpu.memory_space<vmem>> -> memref<1x64xf32, #tpu.memory_space<vmem>>
      %dma_start3A_239 = arith.constant 0 : i32
      %dma_start3A_240 = tpu.memref_slice %arg3[%squeeze3A_226, %dma_start3A_239] : memref<100000x64xf32, #tpu.memory_space<hbm>> -> memref<1x64xf32, #tpu.memory_space<hbm>>
      tpu.enqueue_dma source(%dma_start3A_240 : memref<1x64xf32, #tpu.memory_space<hbm>>) target(%dma_start3A_238 : memref<1x64xf32, #tpu.memory_space<vmem>>) target_semaphore(%arg7 : memref<!tpu.dma_semaphore, #tpu.memory_space<semaphore_mem>>)
      %slice3A_241 = vector.extract_strided_slice %get3A_19 {offsets = [14], sizes = [1], strides = [1]} : vector<16xi32> to vector<1xi32>
      %squeeze3A_242 = vector.extract %slice3A_241[0] : i32 from vector<1xi32>
      %mul3A_243 = arith.constant 64 : i32
      %mul3A_244 = arith.muli %scan3A_13, %mul3A_243 : i32
      %add3A_245 = arith.constant 0 : i32
      %add3A_246 = arith.addi %mul3A_244, %add3A_245 : i32
      %add3A_247 = arith.constant 14 : i32
      %add3A_248 = arith.addi %add3A_246, %add3A_247 : i32
      %dma_start3A_249 = arith.constant 0 : i32
      %dma_start3A_250 = tpu.memref_slice %arg6[%add3A_248, %dma_start3A_249] : memref<512x64xf32, #tpu.memory_space<vmem>> -> memref<1x64xf32, #tpu.memory_space<vmem>>
      %dma_start3A_251 = arith.constant 0 : i32
      %dma_start3A_252 = tpu.memref_slice %arg3[%squeeze3A_242, %dma_start3A_251] : memref<100000x64xf32, #tpu.memory_space<hbm>> -> memref<1x64xf32, #tpu.memory_space<hbm>>
      %dma_start3A_253 = arith.constant 0 : i32
      %dma_start3A_254 = tpu.memref_slice %arg6[%add3A_248, %dma_start3A_253] : memref<512x64xf32, #tpu.memory_space<vmem>> -> memref<1x64xf32, #tpu.memory_space<vmem>>
      %dma_start3A_255 = arith.constant 0 : i32
      %dma_start3A_256 = tpu.memref_slice %arg3[%squeeze3A_242, %dma_start3A_255] : memref<100000x64xf32, #tpu.memory_space<hbm>> -> memref<1x64xf32, #tpu.memory_space<hbm>>
      tpu.enqueue_dma source(%dma_start3A_256 : memref<1x64xf32, #tpu.memory_space<hbm>>) target(%dma_start3A_254 : memref<1x64xf32, #tpu.memory_space<vmem>>) target_semaphore(%arg7 : memref<!tpu.dma_semaphore, #tpu.memory_space<semaphore_mem>>)
      %slice3A_257 = vector.extract_strided_slice %get3A_19 {offsets = [15], sizes = [1], strides = [1]} : vector<16xi32> to vector<1xi32>
      %squeeze3A_258 = vector.extract %slice3A_257[0] : i32 from vector<1xi32>
      %mul3A_259 = arith.constant 64 : i32
      %mul3A_260 = arith.muli %scan3A_13, %mul3A_259 : i32
      %add3A_261 = arith.constant 0 : i32
      %add3A_262 = arith.addi %mul3A_260, %add3A_261 : i32
      %add3A_263 = arith.constant 15 : i32
      %add3A_264 = arith.addi %add3A_262, %add3A_263 : i32
      %dma_start3A_265 = arith.constant 0 : i32
      %dma_start3A_266 = tpu.memref_slice %arg6[%add3A_264, %dma_start3A_265] : memref<512x64xf32, #tpu.memory_space<vmem>> -> memref<1x64xf32, #tpu.memory_space<vmem>>
      %dma_start3A_267 = arith.constant 0 : i32
      %dma_start3A_268 = tpu.memref_slice %arg3[%squeeze3A_258, %dma_start3A_267] : memref<100000x64xf32, #tpu.memory_space<hbm>> -> memref<1x64xf32, #tpu.memory_space<hbm>>
      %dma_start3A_269 = arith.constant 0 : i32
      %dma_start3A_270 = tpu.memref_slice %arg6[%add3A_264, %dma_start3A_269] : memref<512x64xf32, #tpu.memory_space<vmem>> -> memref<1x64xf32, #tpu.memory_space<vmem>>
      %dma_start3A_271 = arith.constant 0 : i32
      %dma_start3A_272 = tpu.memref_slice %arg3[%squeeze3A_258, %dma_start3A_271] : memref<100000x64xf32, #tpu.memory_space<hbm>> -> memref<1x64xf32, #tpu.memory_space<hbm>>
      tpu.enqueue_dma source(%dma_start3A_272 : memref<1x64xf32, #tpu.memory_space<hbm>>) target(%dma_start3A_270 : memref<1x64xf32, #tpu.memory_space<vmem>>) target_semaphore(%arg7 : memref<!tpu.dma_semaphore, #tpu.memory_space<semaphore_mem>>)
      %mul3A_273 = arith.constant 64 : i32
      %mul3A_274 = arith.muli %scan3A_13, %mul3A_273 : i32
      %add3A_275 = arith.constant 16 : i32
      %add3A_276 = arith.addi %mul3A_274, %add3A_275 : i32
      %get3A_277 = arith.index_cast %add3A_276 : i32 to index
      %get3A_278 = tpu.vector_load %arg5[%get3A_277] {strides = array<i32>} : memref<512xi32, #tpu.memory_space<vmem>>, vector<16xi32>,
      %get3A_279 = vector.shape_cast %get3A_278 : vector<16xi32> to vector<16xi32>
      %slice3A_280 = vector.extract_strided_slice %get3A_279 {offsets = [0], sizes = [1], strides = [1]} : vector<16xi32> to vector<1xi32>
      %squeeze3A_281 = vector.extract %slice3A_280[0] : i32 from vector<1xi32>
      %mul3A_282 = arith.constant 64 : i32
      %mul3A_283 = arith.muli %scan3A_13, %mul3A_282 : i32
      %add3A_284 = arith.constant 16 : i32
      %add3A_285 = arith.addi %mul3A_283, %add3A_284 : i32
      %add3A_286 = arith.constant 0 : i32
      %add3A_287 = arith.addi %add3A_285, %add3A_286 : i32
      %dma_start3A_288 = arith.constant 0 : i32
      %dma_start3A_289 = tpu.memref_slice %arg6[%add3A_287, %dma_start3A_288] : memref<512x64xf32, #tpu.memory_space<vmem>> -> memref<1x64xf32, #tpu.memory_space<vmem>>
      %dma_start3A_290 = arith.constant 0 : i32
      %dma_start3A_291 = tpu.memref_slice %arg3[%squeeze3A_281, %dma_start3A_290] : memref<100000x64xf32, #tpu.memory_space<hbm>> -> memref<1x64xf32, #tpu.memory_space<hbm>>
      %dma_start3A_292 = arith.constant 0 : i32
      %dma_start3A_293 = tpu.memref_slice %arg6[%add3A_287, %dma_start3A_292] : memref<512x64xf32, #tpu.memory_space<vmem>> -> memref<1x64xf32, #tpu.memory_space<vmem>>
      %dma_start3A_294 = arith.constant 0 : i32
      %dma_start3A_295 = tpu.memref_slice %arg3[%squeeze3A_281, %dma_start3A_294] : memref<100000x64xf32, #tpu.memory_space<hbm>> -> memref<1x64xf32, #tpu.memory_space<hbm>>
      tpu.enqueue_dma source(%dma_start3A_295 : memref<1x64xf32, #tpu.memory_space<hbm>>) target(%dma_start3A_293 : memref<1x64xf32, #tpu.memory_space<vmem>>) target_semaphore(%arg7 : memref<!tpu.dma_semaphore, #tpu.memory_space<semaphore_mem>>)
      %slice3A_296 = vector.extract_strided_slice %get3A_279 {offsets = [1], sizes = [1], strides = [1]} : vector<16xi32> to vector<1xi32>
      %squeeze3A_297 = vector.extract %slice3A_296[0] : i32 from vector<1xi32>
      %mul3A_298 = arith.constant 64 : i32
      %mul3A_299 = arith.muli %scan3A_13, %mul3A_298 : i32
      %add3A_300 = arith.constant 16 : i32
      %add3A_301 = arith.addi %mul3A_299, %add3A_300 : i32
      %add3A_302 = arith.constant 1 : i32
      %add3A_303 = arith.addi %add3A_301, %add3A_302 : i32
      %dma_start3A_304 = arith.constant 0 : i32
      %dma_start3A_305 = tpu.memref_slice %arg6[%add3A_303, %dma_start3A_304] : memref<512x64xf32, #tpu.memory_space<vmem>> -> memref<1x64xf32, #tpu.memory_space<vmem>>
      %dma_start3A_306 = arith.constant 0 : i32
      %dma_start3A_307 = tpu.memref_slice %arg3[%squeeze3A_297, %dma_start3A_306] : memref<100000x64xf32, #tpu.memory_space<hbm>> -> memref<1x64xf32, #tpu.memory_space<hbm>>
      %dma_start3A_308 = arith.constant 0 : i32
      %dma_start3A_309 = tpu.memref_slice %arg6[%add3A_303, %dma_start3A_308] : memref<512x64xf32, #tpu.memory_space<vmem>> -> memref<1x64xf32, #tpu.memory_space<vmem>>
      %dma_start3A_310 = arith.constant 0 : i32
      %dma_start3A_311 = tpu.memref_slice %arg3[%squeeze3A_297, %dma_start3A_310] : memref<100000x64xf32, #tpu.memory_space<hbm>> -> memref<1x64xf32, #tpu.memory_space<hbm>>
      tpu.enqueue_dma source(%dma_start3A_311 : memref<1x64xf32, #tpu.memory_space<hbm>>) target(%dma_start3A_309 : memref<1x64xf32, #tpu.memory_space<vmem>>) target_semaphore(%arg7 : memref<!tpu.dma_semaphore, #tpu.memory_space<semaphore_mem>>)
      %slice3A_312 = vector.extract_strided_slice %get3A_279 {offsets = [2], sizes = [1], strides = [1]} : vector<16xi32> to vector<1xi32>
      %squeeze3A_313 = vector.extract %slice3A_312[0] : i32 from vector<1xi32>
      %mul3A_314 = arith.constant 64 : i32
      %mul3A_315 = arith.muli %scan3A_13, %mul3A_314 : i32
      %add3A_316 = arith.constant 16 : i32
      %add3A_317 = arith.addi %mul3A_315, %add3A_316 : i32
      %add3A_318 = arith.constant 2 : i32
      %add3A_319 = arith.addi %add3A_317, %add3A_318 : i32
      %dma_start3A_320 = arith.constant 0 : i32
      %dma_start3A_321 = tpu.memref_slice %arg6[%add3A_319, %dma_start3A_320] : memref<512x64xf32, #tpu.memory_space<vmem>> -> memref<1x64xf32, #tpu.memory_space<vmem>>
      %dma_start3A_322 = arith.constant 0 : i32
      %dma_start3A_323 = tpu.memref_slice %arg3[%squeeze3A_313, %dma_start3A_322] : memref<100000x64xf32, #tpu.memory_space<hbm>> -> memref<1x64xf32, #tpu.memory_space<hbm>>
      %dma_start3A_324 = arith.constant 0 : i32
      %dma_start3A_325 = tpu.memref_slice %arg6[%add3A_319, %dma_start3A_324] : memref<512x64xf32, #tpu.memory_space<vmem>> -> memref<1x64xf32, #tpu.memory_space<vmem>>
      %dma_start3A_326 = arith.constant 0 : i32
      %dma_start3A_327 = tpu.memref_slice %arg3[%squeeze3A_313, %dma_start3A_326] : memref<100000x64xf32, #tpu.memory_space<hbm>> -> memref<1x64xf32, #tpu.memory_space<hbm>>
      tpu.enqueue_dma source(%dma_start3A_327 : memref<1x64xf32, #tpu.memory_space<hbm>>) target(%dma_start3A_325 : memref<1x64xf32, #tpu.memory_space<vmem>>) target_semaphore(%arg7 : memref<!tpu.dma_semaphore, #tpu.memory_space<semaphore_mem>>)
      %slice3A_328 = vector.extract_strided_slice %get3A_279 {offsets = [3], sizes = [1], strides = [1]} : vector<16xi32> to vector<1xi32>
      %squeeze3A_329 = vector.extract %slice3A_328[0] : i32 from vector<1xi32>
      %mul3A_330 = arith.constant 64 : i32
      %mul3A_331 = arith.muli %scan3A_13, %mul3A_330 : i32
      %add3A_332 = arith.constant 16 : i32
      %add3A_333 = arith.addi %mul3A_331, %add3A_332 : i32
      %add3A_334 = arith.constant 3 : i32
      %add3A_335 = arith.addi %add3A_333, %add3A_334 : i32
      %dma_start3A_336 = arith.constant 0 : i32
      %dma_start3A_337 = tpu.memref_slice %arg6[%add3A_335, %dma_start3A_336] : memref<512x64xf32, #tpu.memory_space<vmem>> -> memref<1x64xf32, #tpu.memory_space<vmem>>
      %dma_start3A_338 = arith.constant 0 : i32
      %dma_start3A_339 = tpu.memref_slice %arg3[%squeeze3A_329, %dma_start3A_338] : memref<100000x64xf32, #tpu.memory_space<hbm>> -> memref<1x64xf32, #tpu.memory_space<hbm>>
      %dma_start3A_340 = arith.constant 0 : i32
      %dma_start3A_341 = tpu.memref_slice %arg6[%add3A_335, %dma_start3A_340] : memref<512x64xf32, #tpu.memory_space<vmem>> -> memref<1x64xf32, #tpu.memory_space<vmem>>
      %dma_start3A_342 = arith.constant 0 : i32
      %dma_start3A_343 = tpu.memref_slice %arg3[%squeeze3A_329, %dma_start3A_342] : memref<100000x64xf32, #tpu.memory_space<hbm>> -> memref<1x64xf32, #tpu.memory_space<hbm>>
      tpu.enqueue_dma source(%dma_start3A_343 : memref<1x64xf32, #tpu.memory_space<hbm>>) target(%dma_start3A_341 : memref<1x64xf32, #tpu.memory_space<vmem>>) target_semaphore(%arg7 : memref<!tpu.dma_semaphore, #tpu.memory_space<semaphore_mem>>)
      %slice3A_344 = vector.extract_strided_slice %get3A_279 {offsets = [4], sizes = [1], strides = [1]} : vector<16xi32> to vector<1xi32>
      %squeeze3A_345 = vector.extract %slice3A_344[0] : i32 from vector<1xi32>
      %mul3A_346 = arith.constant 64 : i32
      %mul3A_347 = arith.muli %scan3A_13, %mul3A_346 : i32
      %add3A_348 = arith.constant 16 : i32
      %add3A_349 = arith.addi %mul3A_347, %add3A_348 : i32
      %add3A_350 = arith.constant 4 : i32
      %add3A_351 = arith.addi %add3A_349, %add3A_350 : i32
      %dma_start3A_352 = arith.constant 0 : i32
      %dma_start3A_353 = tpu.memref_slice %arg6[%add3A_351, %dma_start3A_352] : memref<512x64xf32, #tpu.memory_space<vmem>> -> memref<1x64xf32, #tpu.memory_space<vmem>>
      %dma_start3A_354 = arith.constant 0 : i32
      %dma_start3A_355 = tpu.memref_slice %arg3[%squeeze3A_345, %dma_start3A_354] : memref<100000x64xf32, #tpu.memory_space<hbm>> -> memref<1x64xf32, #tpu.memory_space<hbm>>
      %dma_start3A_356 = arith.constant 0 : i32
      %dma_start3A_357 = tpu.memref_slice %arg6[%add3A_351, %dma_start3A_356] : memref<512x64xf32, #tpu.memory_space<vmem>> -> memref<1x64xf32, #tpu.memory_space<vmem>>
      %dma_start3A_358 = arith.constant 0 : i32
      %dma_start3A_359 = tpu.memref_slice %arg3[%squeeze3A_345, %dma_start3A_358] : memref<100000x64xf32, #tpu.memory_space<hbm>> -> memref<1x64xf32, #tpu.memory_space<hbm>>
      tpu.enqueue_dma source(%dma_start3A_359 : memref<1x64xf32, #tpu.memory_space<hbm>>) target(%dma_start3A_357 : memref<1x64xf32, #tpu.memory_space<vmem>>) target_semaphore(%arg7 : memref<!tpu.dma_semaphore, #tpu.memory_space<semaphore_mem>>)
      %slice3A_360 = vector.extract_strided_slice %get3A_279 {offsets = [5], sizes = [1], strides = [1]} : vector<16xi32> to vector<1xi32>
      %squeeze3A_361 = vector.extract %slice3A_360[0] : i32 from vector<1xi32>
      %mul3A_362 = arith.constant 64 : i32
      %mul3A_363 = arith.muli %scan3A_13, %mul3A_362 : i32
      %add3A_364 = arith.constant 16 : i32
      %add3A_365 = arith.addi %mul3A_363, %add3A_364 : i32
      %add3A_366 = arith.constant 5 : i32
      %add3A_367 = arith.addi %add3A_365, %add3A_366 : i32
      %dma_start3A_368 = arith.constant 0 : i32
      %dma_start3A_369 = tpu.memref_slice %arg6[%add3A_367, %dma_start3A_368] : memref<512x64xf32, #tpu.memory_space<vmem>> -> memref<1x64xf32, #tpu.memory_space<vmem>>
      %dma_start3A_370 = arith.constant 0 : i32
      %dma_start3A_371 = tpu.memref_slice %arg3[%squeeze3A_361, %dma_start3A_370] : memref<100000x64xf32, #tpu.memory_space<hbm>> -> memref<1x64xf32, #tpu.memory_space<hbm>>
      %dma_start3A_372 = arith.constant 0 : i32
      %dma_start3A_373 = tpu.memref_slice %arg6[%add3A_367, %dma_start3A_372] : memref<512x64xf32, #tpu.memory_space<vmem>> -> memref<1x64xf32, #tpu.memory_space<vmem>>
      %dma_start3A_374 = arith.constant 0 : i32
      %dma_start3A_375 = tpu.memref_slice %arg3[%squeeze3A_361, %dma_start3A_374] : memref<100000x64xf32, #tpu.memory_space<hbm>> -> memref<1x64xf32, #tpu.memory_space<hbm>>
      tpu.enqueue_dma source(%dma_start3A_375 : memref<1x64xf32, #tpu.memory_space<hbm>>) target(%dma_start3A_373 : memref<1x64xf32, #tpu.memory_space<vmem>>) target_semaphore(%arg7 : memref<!tpu.dma_semaphore, #tpu.memory_space<semaphore_mem>>)
      %slice3A_376 = vector.extract_strided_slice %get3A_279 {offsets = [6], sizes = [1], strides = [1]} : vector<16xi32> to vector<1xi32>
      %squeeze3A_377 = vector.extract %slice3A_376[0] : i32 from vector<1xi32>
      %mul3A_378 = arith.constant 64 : i32
      %mul3A_379 = arith.muli %scan3A_13, %mul3A_378 : i32
      %add3A_380 = arith.constant 16 : i32
      %add3A_381 = arith.addi %mul3A_379, %add3A_380 : i32
      %add3A_382 = arith.constant 6 : i32
      %add3A_383 = arith.addi %add3A_381, %add3A_382 : i32
      %dma_start3A_384 = arith.constant 0 : i32
      %dma_start3A_385 = tpu.memref_slice %arg6[%add3A_383, %dma_start3A_384] : memref<512x64xf32, #tpu.memory_space<vmem>> -> memref<1x64xf32, #tpu.memory_space<vmem>>
      %dma_start3A_386 = arith.constant 0 : i32
      %dma_start3A_387 = tpu.memref_slice %arg3[%squeeze3A_377, %dma_start3A_386] : memref<100000x64xf32, #tpu.memory_space<hbm>> -> memref<1x64xf32, #tpu.memory_space<hbm>>
      %dma_start3A_388 = arith.constant 0 : i32
      %dma_start3A_389 = tpu.memref_slice %arg6[%add3A_383, %dma_start3A_388] : memref<512x64xf32, #tpu.memory_space<vmem>> -> memref<1x64xf32, #tpu.memory_space<vmem>>
      %dma_start3A_390 = arith.constant 0 : i32
      %dma_start3A_391 = tpu.memref_slice %arg3[%squeeze3A_377, %dma_start3A_390] : memref<100000x64xf32, #tpu.memory_space<hbm>> -> memref<1x64xf32, #tpu.memory_space<hbm>>
      tpu.enqueue_dma source(%dma_start3A_391 : memref<1x64xf32, #tpu.memory_space<hbm>>) target(%dma_start3A_389 : memref<1x64xf32, #tpu.memory_space<vmem>>) target_semaphore(%arg7 : memref<!tpu.dma_semaphore, #tpu.memory_space<semaphore_mem>>)
      %slice3A_392 = vector.extract_strided_slice %get3A_279 {offsets = [7], sizes = [1], strides = [1]} : vector<16xi32> to vector<1xi32>
      %squeeze3A_393 = vector.extract %slice3A_392[0] : i32 from vector<1xi32>
      %mul3A_394 = arith.constant 64 : i32
      %mul3A_395 = arith.muli %scan3A_13, %mul3A_394 : i32
      %add3A_396 = arith.constant 16 : i32
      %add3A_397 = arith.addi %mul3A_395, %add3A_396 : i32
      %add3A_398 = arith.constant 7 : i32
      %add3A_399 = arith.addi %add3A_397, %add3A_398 : i32
      %dma_start3A_400 = arith.constant 0 : i32
      %dma_start3A_401 = tpu.memref_slice %arg6[%add3A_399, %dma_start3A_400] : memref<512x64xf32, #tpu.memory_space<vmem>> -> memref<1x64xf32, #tpu.memory_space<vmem>>
      %dma_start3A_402 = arith.constant 0 : i32
      %dma_start3A_403 = tpu.memref_slice %arg3[%squeeze3A_393, %dma_start3A_402] : memref<100000x64xf32, #tpu.memory_space<hbm>> -> memref<1x64xf32, #tpu.memory_space<hbm>>
      %dma_start3A_404 = arith.constant 0 : i32
      %dma_start3A_405 = tpu.memref_slice %arg6[%add3A_399, %dma_start3A_404] : memref<512x64xf32, #tpu.memory_space<vmem>> -> memref<1x64xf32, #tpu.memory_space<vmem>>
      %dma_start3A_406 = arith.constant 0 : i32
      %dma_start3A_407 = tpu.memref_slice %arg3[%squeeze3A_393, %dma_start3A_406] : memref<100000x64xf32, #tpu.memory_space<hbm>> -> memref<1x64xf32, #tpu.memory_space<hbm>>
      tpu.enqueue_dma source(%dma_start3A_407 : memref<1x64xf32, #tpu.memory_space<hbm>>) target(%dma_start3A_405 : memref<1x64xf32, #tpu.memory_space<vmem>>) target_semaphore(%arg7 : memref<!tpu.dma_semaphore, #tpu.memory_space<semaphore_mem>>)
      %slice3A_408 = vector.extract_strided_slice %get3A_279 {offsets = [8], sizes = [1], strides = [1]} : vector<16xi32> to vector<1xi32>
      %squeeze3A_409 = vector.extract %slice3A_408[0] : i32 from vector<1xi32>
      %mul3A_410 = arith.constant 64 : i32
      %mul3A_411 = arith.muli %scan3A_13, %mul3A_410 : i32
      %add3A_412 = arith.constant 16 : i32
      %add3A_413 = arith.addi %mul3A_411, %add3A_412 : i32
      %add3A_414 = arith.constant 8 : i32
      %add3A_415 = arith.addi %add3A_413, %add3A_414 : i32
      %dma_start3A_416 = arith.constant 0 : i32
      %dma_start3A_417 = tpu.memref_slice %arg6[%add3A_415, %dma_start3A_416] : memref<512x64xf32, #tpu.memory_space<vmem>> -> memref<1x64xf32, #tpu.memory_space<vmem>>
      %dma_start3A_418 = arith.constant 0 : i32
      %dma_start3A_419 = tpu.memref_slice %arg3[%squeeze3A_409, %dma_start3A_418] : memref<100000x64xf32, #tpu.memory_space<hbm>> -> memref<1x64xf32, #tpu.memory_space<hbm>>
      %dma_start3A_420 = arith.constant 0 : i32
      %dma_start3A_421 = tpu.memref_slice %arg6[%add3A_415, %dma_start3A_420] : memref<512x64xf32, #tpu.memory_space<vmem>> -> memref<1x64xf32, #tpu.memory_space<vmem>>
      %dma_start3A_422 = arith.constant 0 : i32
      %dma_start3A_423 = tpu.memref_slice %arg3[%squeeze3A_409, %dma_start3A_422] : memref<100000x64xf32, #tpu.memory_space<hbm>> -> memref<1x64xf32, #tpu.memory_space<hbm>>
      tpu.enqueue_dma source(%dma_start3A_423 : memref<1x64xf32, #tpu.memory_space<hbm>>) target(%dma_start3A_421 : memref<1x64xf32, #tpu.memory_space<vmem>>) target_semaphore(%arg7 : memref<!tpu.dma_semaphore, #tpu.memory_space<semaphore_mem>>)
      %slice3A_424 = vector.extract_strided_slice %get3A_279 {offsets = [9], sizes = [1], strides = [1]} : vector<16xi32> to vector<1xi32>
      %squeeze3A_425 = vector.extract %slice3A_424[0] : i32 from vector<1xi32>
      %mul3A_426 = arith.constant 64 : i32
      %mul3A_427 = arith.muli %scan3A_13, %mul3A_426 : i32
      %add3A_428 = arith.constant 16 : i32
      %add3A_429 = arith.addi %mul3A_427, %add3A_428 : i32
      %add3A_430 = arith.constant 9 : i32
      %add3A_431 = arith.addi %add3A_429, %add3A_430 : i32
      %dma_start3A_432 = arith.constant 0 : i32
      %dma_start3A_433 = tpu.memref_slice %arg6[%add3A_431, %dma_start3A_432] : memref<512x64xf32, #tpu.memory_space<vmem>> -> memref<1x64xf32, #tpu.memory_space<vmem>>
      %dma_start3A_434 = arith.constant 0 : i32
      %dma_start3A_435 = tpu.memref_slice %arg3[%squeeze3A_425, %dma_start3A_434] : memref<100000x64xf32, #tpu.memory_space<hbm>> -> memref<1x64xf32, #tpu.memory_space<hbm>>
      %dma_start3A_436 = arith.constant 0 : i32
      %dma_start3A_437 = tpu.memref_slice %arg6[%add3A_431, %dma_start3A_436] : memref<512x64xf32, #tpu.memory_space<vmem>> -> memref<1x64xf32, #tpu.memory_space<vmem>>
      %dma_start3A_438 = arith.constant 0 : i32
      %dma_start3A_439 = tpu.memref_slice %arg3[%squeeze3A_425, %dma_start3A_438] : memref<100000x64xf32, #tpu.memory_space<hbm>> -> memref<1x64xf32, #tpu.memory_space<hbm>>
      tpu.enqueue_dma source(%dma_start3A_439 : memref<1x64xf32, #tpu.memory_space<hbm>>) target(%dma_start3A_437 : memref<1x64xf32, #tpu.memory_space<vmem>>) target_semaphore(%arg7 : memref<!tpu.dma_semaphore, #tpu.memory_space<semaphore_mem>>)
      %slice3A_440 = vector.extract_strided_slice %get3A_279 {offsets = [10], sizes = [1], strides = [1]} : vector<16xi32> to vector<1xi32>
      %squeeze3A_441 = vector.extract %slice3A_440[0] : i32 from vector<1xi32>
      %mul3A_442 = arith.constant 64 : i32
      %mul3A_443 = arith.muli %scan3A_13, %mul3A_442 : i32
      %add3A_444 = arith.constant 16 : i32
      %add3A_445 = arith.addi %mul3A_443, %add3A_444 : i32
      %add3A_446 = arith.constant 10 : i32
      %add3A_447 = arith.addi %add3A_445, %add3A_446 : i32
      %dma_start3A_448 = arith.constant 0 : i32
      %dma_start3A_449 = tpu.memref_slice %arg6[%add3A_447, %dma_start3A_448] : memref<512x64xf32, #tpu.memory_space<vmem>> -> memref<1x64xf32, #tpu.memory_space<vmem>>
      %dma_start3A_450 = arith.constant 0 : i32
      %dma_start3A_451 = tpu.memref_slice %arg3[%squeeze3A_441, %dma_start3A_450] : memref<100000x64xf32, #tpu.memory_space<hbm>> -> memref<1x64xf32, #tpu.memory_space<hbm>>
      %dma_start3A_452 = arith.constant 0 : i32
      %dma_start3A_453 = tpu.memref_slice %arg6[%add3A_447, %dma_start3A_452] : memref<512x64xf32, #tpu.memory_space<vmem>> -> memref<1x64xf32, #tpu.memory_space<vmem>>
      %dma_start3A_454 = arith.constant 0 : i32
      %dma_start3A_455 = tpu.memref_slice %arg3[%squeeze3A_441, %dma_start3A_454] : memref<100000x64xf32, #tpu.memory_space<hbm>> -> memref<1x64xf32, #tpu.memory_space<hbm>>
      tpu.enqueue_dma source(%dma_start3A_455 : memref<1x64xf32, #tpu.memory_space<hbm>>) target(%dma_start3A_453 : memref<1x64xf32, #tpu.memory_space<vmem>>) target_semaphore(%arg7 : memref<!tpu.dma_semaphore, #tpu.memory_space<semaphore_mem>>)
      %slice3A_456 = vector.extract_strided_slice %get3A_279 {offsets = [11], sizes = [1], strides = [1]} : vector<16xi32> to vector<1xi32>
      %squeeze3A_457 = vector.extract %slice3A_456[0] : i32 from vector<1xi32>
      %mul3A_458 = arith.constant 64 : i32
      %mul3A_459 = arith.muli %scan3A_13, %mul3A_458 : i32
      %add3A_460 = arith.constant 16 : i32
      %add3A_461 = arith.addi %mul3A_459, %add3A_460 : i32
      %add3A_462 = arith.constant 11 : i32
      %add3A_463 = arith.addi %add3A_461, %add3A_462 : i32
      %dma_start3A_464 = arith.constant 0 : i32
      %dma_start3A_465 = tpu.memref_slice %arg6[%add3A_463, %dma_start3A_464] : memref<512x64xf32, #tpu.memory_space<vmem>> -> memref<1x64xf32, #tpu.memory_space<vmem>>
      %dma_start3A_466 = arith.constant 0 : i32
      %dma_start3A_467 = tpu.memref_slice %arg3[%squeeze3A_457, %dma_start3A_466] : memref<100000x64xf32, #tpu.memory_space<hbm>> -> memref<1x64xf32, #tpu.memory_space<hbm>>
      %dma_start3A_468 = arith.constant 0 : i32
      %dma_start3A_469 = tpu.memref_slice %arg6[%add3A_463, %dma_start3A_468] : memref<512x64xf32, #tpu.memory_space<vmem>> -> memref<1x64xf32, #tpu.memory_space<vmem>>
      %dma_start3A_470 = arith.constant 0 : i32
      %dma_start3A_471 = tpu.memref_slice %arg3[%squeeze3A_457, %dma_start3A_470] : memref<100000x64xf32, #tpu.memory_space<hbm>> -> memref<1x64xf32, #tpu.memory_space<hbm>>
      tpu.enqueue_dma source(%dma_start3A_471 : memref<1x64xf32, #tpu.memory_space<hbm>>) target(%dma_start3A_469 : memref<1x64xf32, #tpu.memory_space<vmem>>) target_semaphore(%arg7 : memref<!tpu.dma_semaphore, #tpu.memory_space<semaphore_mem>>)
      %slice3A_472 = vector.extract_strided_slice %get3A_279 {offsets = [12], sizes = [1], strides = [1]} : vector<16xi32> to vector<1xi32>
      %squeeze3A_473 = vector.extract %slice3A_472[0] : i32 from vector<1xi32>
      %mul3A_474 = arith.constant 64 : i32
      %mul3A_475 = arith.muli %scan3A_13, %mul3A_474 : i32
      %add3A_476 = arith.constant 16 : i32
      %add3A_477 = arith.addi %mul3A_475, %add3A_476 : i32
      %add3A_478 = arith.constant 12 : i32
      %add3A_479 = arith.addi %add3A_477, %add3A_478 : i32
      %dma_start3A_480 = arith.constant 0 : i32
      %dma_start3A_481 = tpu.memref_slice %arg6[%add3A_479, %dma_start3A_480] : memref<512x64xf32, #tpu.memory_space<vmem>> -> memref<1x64xf32, #tpu.memory_space<vmem>>
      %dma_start3A_482 = arith.constant 0 : i32
      %dma_start3A_483 = tpu.memref_slice %arg3[%squeeze3A_473, %dma_start3A_482] : memref<100000x64xf32, #tpu.memory_space<hbm>> -> memref<1x64xf32, #tpu.memory_space<hbm>>
      %dma_start3A_484 = arith.constant 0 : i32
      %dma_start3A_485 = tpu.memref_slice %arg6[%add3A_479, %dma_start3A_484] : memref<512x64xf32, #tpu.memory_space<vmem>> -> memref<1x64xf32, #tpu.memory_space<vmem>>
      %dma_start3A_486 = arith.constant 0 : i32
      %dma_start3A_487 = tpu.memref_slice %arg3[%squeeze3A_473, %dma_start3A_486] : memref<100000x64xf32, #tpu.memory_space<hbm>> -> memref<1x64xf32, #tpu.memory_space<hbm>>
      tpu.enqueue_dma source(%dma_start3A_487 : memref<1x64xf32, #tpu.memory_space<hbm>>) target(%dma_start3A_485 : memref<1x64xf32, #tpu.memory_space<vmem>>) target_semaphore(%arg7 : memref<!tpu.dma_semaphore, #tpu.memory_space<semaphore_mem>>)
      %slice3A_488 = vector.extract_strided_slice %get3A_279 {offsets = [13], sizes = [1], strides = [1]} : vector<16xi32> to vector<1xi32>
      %squeeze3A_489 = vector.extract %slice3A_488[0] : i32 from vector<1xi32>
      %mul3A_490 = arith.constant 64 : i32
      %mul3A_491 = arith.muli %scan3A_13, %mul3A_490 : i32
      %add3A_492 = arith.constant 16 : i32
      %add3A_493 = arith.addi %mul3A_491, %add3A_492 : i32
      %add3A_494 = arith.constant 13 : i32
      %add3A_495 = arith.addi %add3A_493, %add3A_494 : i32
      %dma_start3A_496 = arith.constant 0 : i32
      %dma_start3A_497 = tpu.memref_slice %arg6[%add3A_495, %dma_start3A_496] : memref<512x64xf32, #tpu.memory_space<vmem>> -> memref<1x64xf32, #tpu.memory_space<vmem>>
      %dma_start3A_498 = arith.constant 0 : i32
      %dma_start3A_499 = tpu.memref_slice %arg3[%squeeze3A_489, %dma_start3A_498] : memref<100000x64xf32, #tpu.memory_space<hbm>> -> memref<1x64xf32, #tpu.memory_space<hbm>>
      %dma_start3A_500 = arith.constant 0 : i32
      %dma_start3A_501 = tpu.memref_slice %arg6[%add3A_495, %dma_start3A_500] : memref<512x64xf32, #tpu.memory_space<vmem>> -> memref<1x64xf32, #tpu.memory_space<vmem>>
      %dma_start3A_502 = arith.constant 0 : i32
      %dma_start3A_503 = tpu.memref_slice %arg3[%squeeze3A_489, %dma_start3A_502] : memref<100000x64xf32, #tpu.memory_space<hbm>> -> memref<1x64xf32, #tpu.memory_space<hbm>>
      tpu.enqueue_dma source(%dma_start3A_503 : memref<1x64xf32, #tpu.memory_space<hbm>>) target(%dma_start3A_501 : memref<1x64xf32, #tpu.memory_space<vmem>>) target_semaphore(%arg7 : memref<!tpu.dma_semaphore, #tpu.memory_space<semaphore_mem>>)
      %slice3A_504 = vector.extract_strided_slice %get3A_279 {offsets = [14], sizes = [1], strides = [1]} : vector<16xi32> to vector<1xi32>
      %squeeze3A_505 = vector.extract %slice3A_504[0] : i32 from vector<1xi32>
      %mul3A_506 = arith.constant 64 : i32
      %mul3A_507 = arith.muli %scan3A_13, %mul3A_506 : i32
      %add3A_508 = arith.constant 16 : i32
      %add3A_509 = arith.addi %mul3A_507, %add3A_508 : i32
      %add3A_510 = arith.constant 14 : i32
      %add3A_511 = arith.addi %add3A_509, %add3A_510 : i32
      %dma_start3A_512 = arith.constant 0 : i32
      %dma_start3A_513 = tpu.memref_slice %arg6[%add3A_511, %dma_start3A_512] : memref<512x64xf32, #tpu.memory_space<vmem>> -> memref<1x64xf32, #tpu.memory_space<vmem>>
      %dma_start3A_514 = arith.constant 0 : i32
      %dma_start3A_515 = tpu.memref_slice %arg3[%squeeze3A_505, %dma_start3A_514] : memref<100000x64xf32, #tpu.memory_space<hbm>> -> memref<1x64xf32, #tpu.memory_space<hbm>>
      %dma_start3A_516 = arith.constant 0 : i32
      %dma_start3A_517 = tpu.memref_slice %arg6[%add3A_511, %dma_start3A_516] : memref<512x64xf32, #tpu.memory_space<vmem>> -> memref<1x64xf32, #tpu.memory_space<vmem>>
      %dma_start3A_518 = arith.constant 0 : i32
      %dma_start3A_519 = tpu.memref_slice %arg3[%squeeze3A_505, %dma_start3A_518] : memref<100000x64xf32, #tpu.memory_space<hbm>> -> memref<1x64xf32, #tpu.memory_space<hbm>>
      tpu.enqueue_dma source(%dma_start3A_519 : memref<1x64xf32, #tpu.memory_space<hbm>>) target(%dma_start3A_517 : memref<1x64xf32, #tpu.memory_space<vmem>>) target_semaphore(%arg7 : memref<!tpu.dma_semaphore, #tpu.memory_space<semaphore_mem>>)
      %slice3A_520 = vector.extract_strided_slice %get3A_279 {offsets = [15], sizes = [1], strides = [1]} : vector<16xi32> to vector<1xi32>
      %squeeze3A_521 = vector.extract %slice3A_520[0] : i32 from vector<1xi32>
      %mul3A_522 = arith.constant 64 : i32
      %mul3A_523 = arith.muli %scan3A_13, %mul3A_522 : i32
      %add3A_524 = arith.constant 16 : i32
      %add3A_525 = arith.addi %mul3A_523, %add3A_524 : i32
      %add3A_526 = arith.constant 15 : i32
      %add3A_527 = arith.addi %add3A_525, %add3A_526 : i32
      %dma_start3A_528 = arith.constant 0 : i32
      %dma_start3A_529 = tpu.memref_slice %arg6[%add3A_527, %dma_start3A_528] : memref<512x64xf32, #tpu.memory_space<vmem>> -> memref<1x64xf32, #tpu.memory_space<vmem>>
      %dma_start3A_530 = arith.constant 0 : i32
      %dma_start3A_531 = tpu.memref_slice %arg3[%squeeze3A_521, %dma_start3A_530] : memref<100000x64xf32, #tpu.memory_space<hbm>> -> memref<1x64xf32, #tpu.memory_space<hbm>>
      %dma_start3A_532 = arith.constant 0 : i32
      %dma_start3A_533 = tpu.memref_slice %arg6[%add3A_527, %dma_start3A_532] : memref<512x64xf32, #tpu.memory_space<vmem>> -> memref<1x64xf32, #tpu.memory_space<vmem>>
      %dma_start3A_534 = arith.constant 0 : i32
      %dma_start3A_535 = tpu.memref_slice %arg3[%squeeze3A_521, %dma_start3A_534] : memref<100000x64xf32, #tpu.memory_space<hbm>> -> memref<1x64xf32, #tpu.memory_space<hbm>>
      tpu.enqueue_dma source(%dma_start3A_535 : memref<1x64xf32, #tpu.memory_space<hbm>>) target(%dma_start3A_533 : memref<1x64xf32, #tpu.memory_space<vmem>>) target_semaphore(%arg7 : memref<!tpu.dma_semaphore, #tpu.memory_space<semaphore_mem>>)
      %mul3A_536 = arith.constant 64 : i32
      %mul3A_537 = arith.muli %scan3A_13, %mul3A_536 : i32
      %add3A_538 = arith.constant 32 : i32
      %add3A_539 = arith.addi %mul3A_537, %add3A_538 : i32
      %get3A_540 = arith.index_cast %add3A_539 : i32 to index
      %get3A_541 = tpu.vector_load %arg5[%get3A_540] {strides = array<i32>} : memref<512xi32, #tpu.memory_space<vmem>>, vector<16xi32>,
      %get3A_542 = vector.shape_cast %get3A_541 : vector<16xi32> to vector<16xi32>
      %slice3A_543 = vector.extract_strided_slice %get3A_542 {offsets = [0], sizes = [1], strides = [1]} : vector<16xi32> to vector<1xi32>
      %squeeze3A_544 = vector.extract %slice3A_543[0] : i32 from vector<1xi32>
      %mul3A_545 = arith.constant 64 : i32
      %mul3A_546 = arith.muli %scan3A_13, %mul3A_545 : i32
      %add3A_547 = arith.constant 32 : i32
      %add3A_548 = arith.addi %mul3A_546, %add3A_547 : i32
      %add3A_549 = arith.constant 0 : i32
      %add3A_550 = arith.addi %add3A_548, %add3A_549 : i32
      %dma_start3A_551 = arith.constant 0 : i32
      %dma_start3A_552 = tpu.memref_slice %arg6[%add3A_550, %dma_start3A_551] : memref<512x64xf32, #tpu.memory_space<vmem>> -> memref<1x64xf32, #tpu.memory_space<vmem>>
      %dma_start3A_553 = arith.constant 0 : i32
      %dma_start3A_554 = tpu.memref_slice %arg3[%squeeze3A_544, %dma_start3A_553] : memref<100000x64xf32, #tpu.memory_space<hbm>> -> memref<1x64xf32, #tpu.memory_space<hbm>>
      %dma_start3A_555 = arith.constant 0 : i32
      %dma_start3A_556 = tpu.memref_slice %arg6[%add3A_550, %dma_start3A_555] : memref<512x64xf32, #tpu.memory_space<vmem>> -> memref<1x64xf32, #tpu.memory_space<vmem>>
      %dma_start3A_557 = arith.constant 0 : i32
      %dma_start3A_558 = tpu.memref_slice %arg3[%squeeze3A_544, %dma_start3A_557] : memref<100000x64xf32, #tpu.memory_space<hbm>> -> memref<1x64xf32, #tpu.memory_space<hbm>>
      tpu.enqueue_dma source(%dma_start3A_558 : memref<1x64xf32, #tpu.memory_space<hbm>>) target(%dma_start3A_556 : memref<1x64xf32, #tpu.memory_space<vmem>>) target_semaphore(%arg7 : memref<!tpu.dma_semaphore, #tpu.memory_space<semaphore_mem>>)
      %slice3A_559 = vector.extract_strided_slice %get3A_542 {offsets = [1], sizes = [1], strides = [1]} : vector<16xi32> to vector<1xi32>
      %squeeze3A_560 = vector.extract %slice3A_559[0] : i32 from vector<1xi32>
      %mul3A_561 = arith.constant 64 : i32
      %mul3A_562 = arith.muli %scan3A_13, %mul3A_561 : i32
      %add3A_563 = arith.constant 32 : i32
      %add3A_564 = arith.addi %mul3A_562, %add3A_563 : i32
      %add3A_565 = arith.constant 1 : i32
      %add3A_566 = arith.addi %add3A_564, %add3A_565 : i32
      %dma_start3A_567 = arith.constant 0 : i32
      %dma_start3A_568 = tpu.memref_slice %arg6[%add3A_566, %dma_start3A_567] : memref<512x64xf32, #tpu.memory_space<vmem>> -> memref<1x64xf32, #tpu.memory_space<vmem>>
      %dma_start3A_569 = arith.constant 0 : i32
      %dma_start3A_570 = tpu.memref_slice %arg3[%squeeze3A_560, %dma_start3A_569] : memref<100000x64xf32, #tpu.memory_space<hbm>> -> memref<1x64xf32, #tpu.memory_space<hbm>>
      %dma_start3A_571 = arith.constant 0 : i32
      %dma_start3A_572 = tpu.memref_slice %arg6[%add3A_566, %dma_start3A_571] : memref<512x64xf32, #tpu.memory_space<vmem>> -> memref<1x64xf32, #tpu.memory_space<vmem>>
      %dma_start3A_573 = arith.constant 0 : i32
      %dma_start3A_574 = tpu.memref_slice %arg3[%squeeze3A_560, %dma_start3A_573] : memref<100000x64xf32, #tpu.memory_space<hbm>> -> memref<1x64xf32, #tpu.memory_space<hbm>>
      tpu.enqueue_dma source(%dma_start3A_574 : memref<1x64xf32, #tpu.memory_space<hbm>>) target(%dma_start3A_572 : memref<1x64xf32, #tpu.memory_space<vmem>>) target_semaphore(%arg7 : memref<!tpu.dma_semaphore, #tpu.memory_space<semaphore_mem>>)
      %slice3A_575 = vector.extract_strided_slice %get3A_542 {offsets = [2], sizes = [1], strides = [1]} : vector<16xi32> to vector<1xi32>
      %squeeze3A_576 = vector.extract %slice3A_575[0] : i32 from vector<1xi32>
      %mul3A_577 = arith.constant 64 : i32
      %mul3A_578 = arith.muli %scan3A_13, %mul3A_577 : i32
      %add3A_579 = arith.constant 32 : i32
      %add3A_580 = arith.addi %mul3A_578, %add3A_579 : i32
      %add3A_581 = arith.constant 2 : i32
      %add3A_582 = arith.addi %add3A_580, %add3A_581 : i32
      %dma_start3A_583 = arith.constant 0 : i32
      %dma_start3A_584 = tpu.memref_slice %arg6[%add3A_582, %dma_start3A_583] : memref<512x64xf32, #tpu.memory_space<vmem>> -> memref<1x64xf32, #tpu.memory_space<vmem>>
      %dma_start3A_585 = arith.constant 0 : i32
      %dma_start3A_586 = tpu.memref_slice %arg3[%squeeze3A_576, %dma_start3A_585] : memref<100000x64xf32, #tpu.memory_space<hbm>> -> memref<1x64xf32, #tpu.memory_space<hbm>>
      %dma_start3A_587 = arith.constant 0 : i32
      %dma_start3A_588 = tpu.memref_slice %arg6[%add3A_582, %dma_start3A_587] : memref<512x64xf32, #tpu.memory_space<vmem>> -> memref<1x64xf32, #tpu.memory_space<vmem>>
      %dma_start3A_589 = arith.constant 0 : i32
      %dma_start3A_590 = tpu.memref_slice %arg3[%squeeze3A_576, %dma_start3A_589] : memref<100000x64xf32, #tpu.memory_space<hbm>> -> memref<1x64xf32, #tpu.memory_space<hbm>>
      tpu.enqueue_dma source(%dma_start3A_590 : memref<1x64xf32, #tpu.memory_space<hbm>>) target(%dma_start3A_588 : memref<1x64xf32, #tpu.memory_space<vmem>>) target_semaphore(%arg7 : memref<!tpu.dma_semaphore, #tpu.memory_space<semaphore_mem>>)
      %slice3A_591 = vector.extract_strided_slice %get3A_542 {offsets = [3], sizes = [1], strides = [1]} : vector<16xi32> to vector<1xi32>
      %squeeze3A_592 = vector.extract %slice3A_591[0] : i32 from vector<1xi32>
      %mul3A_593 = arith.constant 64 : i32
      %mul3A_594 = arith.muli %scan3A_13, %mul3A_593 : i32
      %add3A_595 = arith.constant 32 : i32
      %add3A_596 = arith.addi %mul3A_594, %add3A_595 : i32
      %add3A_597 = arith.constant 3 : i32
      %add3A_598 = arith.addi %add3A_596, %add3A_597 : i32
      %dma_start3A_599 = arith.constant 0 : i32
      %dma_start3A_600 = tpu.memref_slice %arg6[%add3A_598, %dma_start3A_599] : memref<512x64xf32, #tpu.memory_space<vmem>> -> memref<1x64xf32, #tpu.memory_space<vmem>>
      %dma_start3A_601 = arith.constant 0 : i32
      %dma_start3A_602 = tpu.memref_slice %arg3[%squeeze3A_592, %dma_start3A_601] : memref<100000x64xf32, #tpu.memory_space<hbm>> -> memref<1x64xf32, #tpu.memory_space<hbm>>
      %dma_start3A_603 = arith.constant 0 : i32
      %dma_start3A_604 = tpu.memref_slice %arg6[%add3A_598, %dma_start3A_603] : memref<512x64xf32, #tpu.memory_space<vmem>> -> memref<1x64xf32, #tpu.memory_space<vmem>>
      %dma_start3A_605 = arith.constant 0 : i32
      %dma_start3A_606 = tpu.memref_slice %arg3[%squeeze3A_592, %dma_start3A_605] : memref<100000x64xf32, #tpu.memory_space<hbm>> -> memref<1x64xf32, #tpu.memory_space<hbm>>
      tpu.enqueue_dma source(%dma_start3A_606 : memref<1x64xf32, #tpu.memory_space<hbm>>) target(%dma_start3A_604 : memref<1x64xf32, #tpu.memory_space<vmem>>) target_semaphore(%arg7 : memref<!tpu.dma_semaphore, #tpu.memory_space<semaphore_mem>>)
      %slice3A_607 = vector.extract_strided_slice %get3A_542 {offsets = [4], sizes = [1], strides = [1]} : vector<16xi32> to vector<1xi32>
      %squeeze3A_608 = vector.extract %slice3A_607[0] : i32 from vector<1xi32>
      %mul3A_609 = arith.constant 64 : i32
      %mul3A_610 = arith.muli %scan3A_13, %mul3A_609 : i32
      %add3A_611 = arith.constant 32 : i32
      %add3A_612 = arith.addi %mul3A_610, %add3A_611 : i32
      %add3A_613 = arith.constant 4 : i32
      %add3A_614 = arith.addi %add3A_612, %add3A_613 : i32
      %dma_start3A_615 = arith.constant 0 : i32
      %dma_start3A_616 = tpu.memref_slice %arg6[%add3A_614, %dma_start3A_615] : memref<512x64xf32, #tpu.memory_space<vmem>> -> memref<1x64xf32, #tpu.memory_space<vmem>>
      %dma_start3A_617 = arith.constant 0 : i32
      %dma_start3A_618 = tpu.memref_slice %arg3[%squeeze3A_608, %dma_start3A_617] : memref<100000x64xf32, #tpu.memory_space<hbm>> -> memref<1x64xf32, #tpu.memory_space<hbm>>
      %dma_start3A_619 = arith.constant 0 : i32
      %dma_start3A_620 = tpu.memref_slice %arg6[%add3A_614, %dma_start3A_619] : memref<512x64xf32, #tpu.memory_space<vmem>> -> memref<1x64xf32, #tpu.memory_space<vmem>>
      %dma_start3A_621 = arith.constant 0 : i32
      %dma_start3A_622 = tpu.memref_slice %arg3[%squeeze3A_608, %dma_start3A_621] : memref<100000x64xf32, #tpu.memory_space<hbm>> -> memref<1x64xf32, #tpu.memory_space<hbm>>
      tpu.enqueue_dma source(%dma_start3A_622 : memref<1x64xf32, #tpu.memory_space<hbm>>) target(%dma_start3A_620 : memref<1x64xf32, #tpu.memory_space<vmem>>) target_semaphore(%arg7 : memref<!tpu.dma_semaphore, #tpu.memory_space<semaphore_mem>>)
      %slice3A_623 = vector.extract_strided_slice %get3A_542 {offsets = [5], sizes = [1], strides = [1]} : vector<16xi32> to vector<1xi32>
      %squeeze3A_624 = vector.extract %slice3A_623[0] : i32 from vector<1xi32>
      %mul3A_625 = arith.constant 64 : i32
      %mul3A_626 = arith.muli %scan3A_13, %mul3A_625 : i32
      %add3A_627 = arith.constant 32 : i32
      %add3A_628 = arith.addi %mul3A_626, %add3A_627 : i32
      %add3A_629 = arith.constant 5 : i32
      %add3A_630 = arith.addi %add3A_628, %add3A_629 : i32
      %dma_start3A_631 = arith.constant 0 : i32
      %dma_start3A_632 = tpu.memref_slice %arg6[%add3A_630, %dma_start3A_631] : memref<512x64xf32, #tpu.memory_space<vmem>> -> memref<1x64xf32, #tpu.memory_space<vmem>>
      %dma_start3A_633 = arith.constant 0 : i32
      %dma_start3A_634 = tpu.memref_slice %arg3[%squeeze3A_624, %dma_start3A_633] : memref<100000x64xf32, #tpu.memory_space<hbm>> -> memref<1x64xf32, #tpu.memory_space<hbm>>
      %dma_start3A_635 = arith.constant 0 : i32
      %dma_start3A_636 = tpu.memref_slice %arg6[%add3A_630, %dma_start3A_635] : memref<512x64xf32, #tpu.memory_space<vmem>> -> memref<1x64xf32, #tpu.memory_space<vmem>>
      %dma_start3A_637 = arith.constant 0 : i32
      %dma_start3A_638 = tpu.memref_slice %arg3[%squeeze3A_624, %dma_start3A_637] : memref<100000x64xf32, #tpu.memory_space<hbm>> -> memref<1x64xf32, #tpu.memory_space<hbm>>
      tpu.enqueue_dma source(%dma_start3A_638 : memref<1x64xf32, #tpu.memory_space<hbm>>) target(%dma_start3A_636 : memref<1x64xf32, #tpu.memory_space<vmem>>) target_semaphore(%arg7 : memref<!tpu.dma_semaphore, #tpu.memory_space<semaphore_mem>>)
      %slice3A_639 = vector.extract_strided_slice %get3A_542 {offsets = [6], sizes = [1], strides = [1]} : vector<16xi32> to vector<1xi32>
      %squeeze3A_640 = vector.extract %slice3A_639[0] : i32 from vector<1xi32>
      %mul3A_641 = arith.constant 64 : i32
      %mul3A_642 = arith.muli %scan3A_13, %mul3A_641 : i32
      %add3A_643 = arith.constant 32 : i32
      %add3A_644 = arith.addi %mul3A_642, %add3A_643 : i32
      %add3A_645 = arith.constant 6 : i32
      %add3A_646 = arith.addi %add3A_644, %add3A_645 : i32
      %dma_start3A_647 = arith.constant 0 : i32
      %dma_start3A_648 = tpu.memref_slice %arg6[%add3A_646, %dma_start3A_647] : memref<512x64xf32, #tpu.memory_space<vmem>> -> memref<1x64xf32, #tpu.memory_space<vmem>>
      %dma_start3A_649 = arith.constant 0 : i32
      %dma_start3A_650 = tpu.memref_slice %arg3[%squeeze3A_640, %dma_start3A_649] : memref<100000x64xf32, #tpu.memory_space<hbm>> -> memref<1x64xf32, #tpu.memory_space<hbm>>
      %dma_start3A_651 = arith.constant 0 : i32
      %dma_start3A_652 = tpu.memref_slice %arg6[%add3A_646, %dma_start3A_651] : memref<512x64xf32, #tpu.memory_space<vmem>> -> memref<1x64xf32, #tpu.memory_space<vmem>>
      %dma_start3A_653 = arith.constant 0 : i32
      %dma_start3A_654 = tpu.memref_slice %arg3[%squeeze3A_640, %dma_start3A_653] : memref<100000x64xf32, #tpu.memory_space<hbm>> -> memref<1x64xf32, #tpu.memory_space<hbm>>
      tpu.enqueue_dma source(%dma_start3A_654 : memref<1x64xf32, #tpu.memory_space<hbm>>) target(%dma_start3A_652 : memref<1x64xf32, #tpu.memory_space<vmem>>) target_semaphore(%arg7 : memref<!tpu.dma_semaphore, #tpu.memory_space<semaphore_mem>>)
      %slice3A_655 = vector.extract_strided_slice %get3A_542 {offsets = [7], sizes = [1], strides = [1]} : vector<16xi32> to vector<1xi32>
      %squeeze3A_656 = vector.extract %slice3A_655[0] : i32 from vector<1xi32>
      %mul3A_657 = arith.constant 64 : i32
      %mul3A_658 = arith.muli %scan3A_13, %mul3A_657 : i32
      %add3A_659 = arith.constant 32 : i32
      %add3A_660 = arith.addi %mul3A_658, %add3A_659 : i32
      %add3A_661 = arith.constant 7 : i32
      %add3A_662 = arith.addi %add3A_660, %add3A_661 : i32
      %dma_start3A_663 = arith.constant 0 : i32
      %dma_start3A_664 = tpu.memref_slice %arg6[%add3A_662, %dma_start3A_663] : memref<512x64xf32, #tpu.memory_space<vmem>> -> memref<1x64xf32, #tpu.memory_space<vmem>>
      %dma_start3A_665 = arith.constant 0 : i32
      %dma_start3A_666 = tpu.memref_slice %arg3[%squeeze3A_656, %dma_start3A_665] : memref<100000x64xf32, #tpu.memory_space<hbm>> -> memref<1x64xf32, #tpu.memory_space<hbm>>
      %dma_start3A_667 = arith.constant 0 : i32
      %dma_start3A_668 = tpu.memref_slice %arg6[%add3A_662, %dma_start3A_667] : memref<512x64xf32, #tpu.memory_space<vmem>> -> memref<1x64xf32, #tpu.memory_space<vmem>>
      %dma_start3A_669 = arith.constant 0 : i32
      %dma_start3A_670 = tpu.memref_slice %arg3[%squeeze3A_656, %dma_start3A_669] : memref<100000x64xf32, #tpu.memory_space<hbm>> -> memref<1x64xf32, #tpu.memory_space<hbm>>
      tpu.enqueue_dma source(%dma_start3A_670 : memref<1x64xf32, #tpu.memory_space<hbm>>) target(%dma_start3A_668 : memref<1x64xf32, #tpu.memory_space<vmem>>) target_semaphore(%arg7 : memref<!tpu.dma_semaphore, #tpu.memory_space<semaphore_mem>>)
      %slice3A_671 = vector.extract_strided_slice %get3A_542 {offsets = [8], sizes = [1], strides = [1]} : vector<16xi32> to vector<1xi32>
      %squeeze3A_672 = vector.extract %slice3A_671[0] : i32 from vector<1xi32>
      %mul3A_673 = arith.constant 64 : i32
      %mul3A_674 = arith.muli %scan3A_13, %mul3A_673 : i32
      %add3A_675 = arith.constant 32 : i32
      %add3A_676 = arith.addi %mul3A_674, %add3A_675 : i32
      %add3A_677 = arith.constant 8 : i32
      %add3A_678 = arith.addi %add3A_676, %add3A_677 : i32
      %dma_start3A_679 = arith.constant 0 : i32
      %dma_start3A_680 = tpu.memref_slice %arg6[%add3A_678, %dma_start3A_679] : memref<512x64xf32, #tpu.memory_space<vmem>> -> memref<1x64xf32, #tpu.memory_space<vmem>>
      %dma_start3A_681 = arith.constant 0 : i32
      %dma_start3A_682 = tpu.memref_slice %arg3[%squeeze3A_672, %dma_start3A_681] : memref<100000x64xf32, #tpu.memory_space<hbm>> -> memref<1x64xf32, #tpu.memory_space<hbm>>
      %dma_start3A_683 = arith.constant 0 : i32
      %dma_start3A_684 = tpu.memref_slice %arg6[%add3A_678, %dma_start3A_683] : memref<512x64xf32, #tpu.memory_space<vmem>> -> memref<1x64xf32, #tpu.memory_space<vmem>>
      %dma_start3A_685 = arith.constant 0 : i32
      %dma_start3A_686 = tpu.memref_slice %arg3[%squeeze3A_672, %dma_start3A_685] : memref<100000x64xf32, #tpu.memory_space<hbm>> -> memref<1x64xf32, #tpu.memory_space<hbm>>
      tpu.enqueue_dma source(%dma_start3A_686 : memref<1x64xf32, #tpu.memory_space<hbm>>) target(%dma_start3A_684 : memref<1x64xf32, #tpu.memory_space<vmem>>) target_semaphore(%arg7 : memref<!tpu.dma_semaphore, #tpu.memory_space<semaphore_mem>>)
      %slice3A_687 = vector.extract_strided_slice %get3A_542 {offsets = [9], sizes = [1], strides = [1]} : vector<16xi32> to vector<1xi32>
      %squeeze3A_688 = vector.extract %slice3A_687[0] : i32 from vector<1xi32>
      %mul3A_689 = arith.constant 64 : i32
      %mul3A_690 = arith.muli %scan3A_13, %mul3A_689 : i32
      %add3A_691 = arith.constant 32 : i32
      %add3A_692 = arith.addi %mul3A_690, %add3A_691 : i32
      %add3A_693 = arith.constant 9 : i32
      %add3A_694 = arith.addi %add3A_692, %add3A_693 : i32
      %dma_start3A_695 = arith.constant 0 : i32
      %dma_start3A_696 = tpu.memref_slice %arg6[%add3A_694, %dma_start3A_695] : memref<512x64xf32, #tpu.memory_space<vmem>> -> memref<1x64xf32, #tpu.memory_space<vmem>>
      %dma_start3A_697 = arith.constant 0 : i32
      %dma_start3A_698 = tpu.memref_slice %arg3[%squeeze3A_688, %dma_start3A_697] : memref<100000x64xf32, #tpu.memory_space<hbm>> -> memref<1x64xf32, #tpu.memory_space<hbm>>
      %dma_start3A_699 = arith.constant 0 : i32
      %dma_start3A_700 = tpu.memref_slice %arg6[%add3A_694, %dma_start3A_699] : memref<512x64xf32, #tpu.memory_space<vmem>> -> memref<1x64xf32, #tpu.memory_space<vmem>>
      %dma_start3A_701 = arith.constant 0 : i32
      %dma_start3A_702 = tpu.memref_slice %arg3[%squeeze3A_688, %dma_start3A_701] : memref<100000x64xf32, #tpu.memory_space<hbm>> -> memref<1x64xf32, #tpu.memory_space<hbm>>
      tpu.enqueue_dma source(%dma_start3A_702 : memref<1x64xf32, #tpu.memory_space<hbm>>) target(%dma_start3A_700 : memref<1x64xf32, #tpu.memory_space<vmem>>) target_semaphore(%arg7 : memref<!tpu.dma_semaphore, #tpu.memory_space<semaphore_mem>>)
      %slice3A_703 = vector.extract_strided_slice %get3A_542 {offsets = [10], sizes = [1], strides = [1]} : vector<16xi32> to vector<1xi32>
      %squeeze3A_704 = vector.extract %slice3A_703[0] : i32 from vector<1xi32>
      %mul3A_705 = arith.constant 64 : i32
      %mul3A_706 = arith.muli %scan3A_13, %mul3A_705 : i32
      %add3A_707 = arith.constant 32 : i32
      %add3A_708 = arith.addi %mul3A_706, %add3A_707 : i32
      %add3A_709 = arith.constant 10 : i32
      %add3A_710 = arith.addi %add3A_708, %add3A_709 : i32
      %dma_start3A_711 = arith.constant 0 : i32
      %dma_start3A_712 = tpu.memref_slice %arg6[%add3A_710, %dma_start3A_711] : memref<512x64xf32, #tpu.memory_space<vmem>> -> memref<1x64xf32, #tpu.memory_space<vmem>>
      %dma_start3A_713 = arith.constant 0 : i32
      %dma_start3A_714 = tpu.memref_slice %arg3[%squeeze3A_704, %dma_start3A_713] : memref<100000x64xf32, #tpu.memory_space<hbm>> -> memref<1x64xf32, #tpu.memory_space<hbm>>
      %dma_start3A_715 = arith.constant 0 : i32
      %dma_start3A_716 = tpu.memref_slice %arg6[%add3A_710, %dma_start3A_715] : memref<512x64xf32, #tpu.memory_space<vmem>> -> memref<1x64xf32, #tpu.memory_space<vmem>>
      %dma_start3A_717 = arith.constant 0 : i32
      %dma_start3A_718 = tpu.memref_slice %arg3[%squeeze3A_704, %dma_start3A_717] : memref<100000x64xf32, #tpu.memory_space<hbm>> -> memref<1x64xf32, #tpu.memory_space<hbm>>
      tpu.enqueue_dma source(%dma_start3A_718 : memref<1x64xf32, #tpu.memory_space<hbm>>) target(%dma_start3A_716 : memref<1x64xf32, #tpu.memory_space<vmem>>) target_semaphore(%arg7 : memref<!tpu.dma_semaphore, #tpu.memory_space<semaphore_mem>>)
      %slice3A_719 = vector.extract_strided_slice %get3A_542 {offsets = [11], sizes = [1], strides = [1]} : vector<16xi32> to vector<1xi32>
      %squeeze3A_720 = vector.extract %slice3A_719[0] : i32 from vector<1xi32>
      %mul3A_721 = arith.constant 64 : i32
      %mul3A_722 = arith.muli %scan3A_13, %mul3A_721 : i32
      %add3A_723 = arith.constant 32 : i32
      %add3A_724 = arith.addi %mul3A_722, %add3A_723 : i32
      %add3A_725 = arith.constant 11 : i32
      %add3A_726 = arith.addi %add3A_724, %add3A_725 : i32
      %dma_start3A_727 = arith.constant 0 : i32
      %dma_start3A_728 = tpu.memref_slice %arg6[%add3A_726, %dma_start3A_727] : memref<512x64xf32, #tpu.memory_space<vmem>> -> memref<1x64xf32, #tpu.memory_space<vmem>>
      %dma_start3A_729 = arith.constant 0 : i32
      %dma_start3A_730 = tpu.memref_slice %arg3[%squeeze3A_720, %dma_start3A_729] : memref<100000x64xf32, #tpu.memory_space<hbm>> -> memref<1x64xf32, #tpu.memory_space<hbm>>
      %dma_start3A_731 = arith.constant 0 : i32
      %dma_start3A_732 = tpu.memref_slice %arg6[%add3A_726, %dma_start3A_731] : memref<512x64xf32, #tpu.memory_space<vmem>> -> memref<1x64xf32, #tpu.memory_space<vmem>>
      %dma_start3A_733 = arith.constant 0 : i32
      %dma_start3A_734 = tpu.memref_slice %arg3[%squeeze3A_720, %dma_start3A_733] : memref<100000x64xf32, #tpu.memory_space<hbm>> -> memref<1x64xf32, #tpu.memory_space<hbm>>
      tpu.enqueue_dma source(%dma_start3A_734 : memref<1x64xf32, #tpu.memory_space<hbm>>) target(%dma_start3A_732 : memref<1x64xf32, #tpu.memory_space<vmem>>) target_semaphore(%arg7 : memref<!tpu.dma_semaphore, #tpu.memory_space<semaphore_mem>>)
      %slice3A_735 = vector.extract_strided_slice %get3A_542 {offsets = [12], sizes = [1], strides = [1]} : vector<16xi32> to vector<1xi32>
      %squeeze3A_736 = vector.extract %slice3A_735[0] : i32 from vector<1xi32>
      %mul3A_737 = arith.constant 64 : i32
      %mul3A_738 = arith.muli %scan3A_13, %mul3A_737 : i32
      %add3A_739 = arith.constant 32 : i32
      %add3A_740 = arith.addi %mul3A_738, %add3A_739 : i32
      %add3A_741 = arith.constant 12 : i32
      %add3A_742 = arith.addi %add3A_740, %add3A_741 : i32
      %dma_start3A_743 = arith.constant 0 : i32
      %dma_start3A_744 = tpu.memref_slice %arg6[%add3A_742, %dma_start3A_743] : memref<512x64xf32, #tpu.memory_space<vmem>> -> memref<1x64xf32, #tpu.memory_space<vmem>>
      %dma_start3A_745 = arith.constant 0 : i32
      %dma_start3A_746 = tpu.memref_slice %arg3[%squeeze3A_736, %dma_start3A_745] : memref<100000x64xf32, #tpu.memory_space<hbm>> -> memref<1x64xf32, #tpu.memory_space<hbm>>
      %dma_start3A_747 = arith.constant 0 : i32
      %dma_start3A_748 = tpu.memref_slice %arg6[%add3A_742, %dma_start3A_747] : memref<512x64xf32, #tpu.memory_space<vmem>> -> memref<1x64xf32, #tpu.memory_space<vmem>>
      %dma_start3A_749 = arith.constant 0 : i32
      %dma_start3A_750 = tpu.memref_slice %arg3[%squeeze3A_736, %dma_start3A_749] : memref<100000x64xf32, #tpu.memory_space<hbm>> -> memref<1x64xf32, #tpu.memory_space<hbm>>
      tpu.enqueue_dma source(%dma_start3A_750 : memref<1x64xf32, #tpu.memory_space<hbm>>) target(%dma_start3A_748 : memref<1x64xf32, #tpu.memory_space<vmem>>) target_semaphore(%arg7 : memref<!tpu.dma_semaphore, #tpu.memory_space<semaphore_mem>>)
      %slice3A_751 = vector.extract_strided_slice %get3A_542 {offsets = [13], sizes = [1], strides = [1]} : vector<16xi32> to vector<1xi32>
      %squeeze3A_752 = vector.extract %slice3A_751[0] : i32 from vector<1xi32>
      %mul3A_753 = arith.constant 64 : i32
      %mul3A_754 = arith.muli %scan3A_13, %mul3A_753 : i32
      %add3A_755 = arith.constant 32 : i32
      %add3A_756 = arith.addi %mul3A_754, %add3A_755 : i32
      %add3A_757 = arith.constant 13 : i32
      %add3A_758 = arith.addi %add3A_756, %add3A_757 : i32
      %dma_start3A_759 = arith.constant 0 : i32
      %dma_start3A_760 = tpu.memref_slice %arg6[%add3A_758, %dma_start3A_759] : memref<512x64xf32, #tpu.memory_space<vmem>> -> memref<1x64xf32, #tpu.memory_space<vmem>>
      %dma_start3A_761 = arith.constant 0 : i32
      %dma_start3A_762 = tpu.memref_slice %arg3[%squeeze3A_752, %dma_start3A_761] : memref<100000x64xf32, #tpu.memory_space<hbm>> -> memref<1x64xf32, #tpu.memory_space<hbm>>
      %dma_start3A_763 = arith.constant 0 : i32
      %dma_start3A_764 = tpu.memref_slice %arg6[%add3A_758, %dma_start3A_763] : memref<512x64xf32, #tpu.memory_space<vmem>> -> memref<1x64xf32, #tpu.memory_space<vmem>>
      %dma_start3A_765 = arith.constant 0 : i32
      %dma_start3A_766 = tpu.memref_slice %arg3[%squeeze3A_752, %dma_start3A_765] : memref<100000x64xf32, #tpu.memory_space<hbm>> -> memref<1x64xf32, #tpu.memory_space<hbm>>
      tpu.enqueue_dma source(%dma_start3A_766 : memref<1x64xf32, #tpu.memory_space<hbm>>) target(%dma_start3A_764 : memref<1x64xf32, #tpu.memory_space<vmem>>) target_semaphore(%arg7 : memref<!tpu.dma_semaphore, #tpu.memory_space<semaphore_mem>>)
      %slice3A_767 = vector.extract_strided_slice %get3A_542 {offsets = [14], sizes = [1], strides = [1]} : vector<16xi32> to vector<1xi32>
      %squeeze3A_768 = vector.extract %slice3A_767[0] : i32 from vector<1xi32>
      %mul3A_769 = arith.constant 64 : i32
      %mul3A_770 = arith.muli %scan3A_13, %mul3A_769 : i32
      %add3A_771 = arith.constant 32 : i32
      %add3A_772 = arith.addi %mul3A_770, %add3A_771 : i32
      %add3A_773 = arith.constant 14 : i32
      %add3A_774 = arith.addi %add3A_772, %add3A_773 : i32
      %dma_start3A_775 = arith.constant 0 : i32
      %dma_start3A_776 = tpu.memref_slice %arg6[%add3A_774, %dma_start3A_775] : memref<512x64xf32, #tpu.memory_space<vmem>> -> memref<1x64xf32, #tpu.memory_space<vmem>>
      %dma_start3A_777 = arith.constant 0 : i32
      %dma_start3A_778 = tpu.memref_slice %arg3[%squeeze3A_768, %dma_start3A_777] : memref<100000x64xf32, #tpu.memory_space<hbm>> -> memref<1x64xf32, #tpu.memory_space<hbm>>
      %dma_start3A_779 = arith.constant 0 : i32
      %dma_start3A_780 = tpu.memref_slice %arg6[%add3A_774, %dma_start3A_779] : memref<512x64xf32, #tpu.memory_space<vmem>> -> memref<1x64xf32, #tpu.memory_space<vmem>>
      %dma_start3A_781 = arith.constant 0 : i32
      %dma_start3A_782 = tpu.memref_slice %arg3[%squeeze3A_768, %dma_start3A_781] : memref<100000x64xf32, #tpu.memory_space<hbm>> -> memref<1x64xf32, #tpu.memory_space<hbm>>
      tpu.enqueue_dma source(%dma_start3A_782 : memref<1x64xf32, #tpu.memory_space<hbm>>) target(%dma_start3A_780 : memref<1x64xf32, #tpu.memory_space<vmem>>) target_semaphore(%arg7 : memref<!tpu.dma_semaphore, #tpu.memory_space<semaphore_mem>>)
      %slice3A_783 = vector.extract_strided_slice %get3A_542 {offsets = [15], sizes = [1], strides = [1]} : vector<16xi32> to vector<1xi32>
      %squeeze3A_784 = vector.extract %slice3A_783[0] : i32 from vector<1xi32>
      %mul3A_785 = arith.constant 64 : i32
      %mul3A_786 = arith.muli %scan3A_13, %mul3A_785 : i32
      %add3A_787 = arith.constant 32 : i32
      %add3A_788 = arith.addi %mul3A_786, %add3A_787 : i32
      %add3A_789 = arith.constant 15 : i32
      %add3A_790 = arith.addi %add3A_788, %add3A_789 : i32
      %dma_start3A_791 = arith.constant 0 : i32
      %dma_start3A_792 = tpu.memref_slice %arg6[%add3A_790, %dma_start3A_791] : memref<512x64xf32, #tpu.memory_space<vmem>> -> memref<1x64xf32, #tpu.memory_space<vmem>>
      %dma_start3A_793 = arith.constant 0 : i32
      %dma_start3A_794 = tpu.memref_slice %arg3[%squeeze3A_784, %dma_start3A_793] : memref<100000x64xf32, #tpu.memory_space<hbm>> -> memref<1x64xf32, #tpu.memory_space<hbm>>
      %dma_start3A_795 = arith.constant 0 : i32
      %dma_start3A_796 = tpu.memref_slice %arg6[%add3A_790, %dma_start3A_795] : memref<512x64xf32, #tpu.memory_space<vmem>> -> memref<1x64xf32, #tpu.memory_space<vmem>>
      %dma_start3A_797 = arith.constant 0 : i32
      %dma_start3A_798 = tpu.memref_slice %arg3[%squeeze3A_784, %dma_start3A_797] : memref<100000x64xf32, #tpu.memory_space<hbm>> -> memref<1x64xf32, #tpu.memory_space<hbm>>
      tpu.enqueue_dma source(%dma_start3A_798 : memref<1x64xf32, #tpu.memory_space<hbm>>) target(%dma_start3A_796 : memref<1x64xf32, #tpu.memory_space<vmem>>) target_semaphore(%arg7 : memref<!tpu.dma_semaphore, #tpu.memory_space<semaphore_mem>>)
      %mul3A_799 = arith.constant 64 : i32
      %mul3A_800 = arith.muli %scan3A_13, %mul3A_799 : i32
      %add3A_801 = arith.constant 48 : i32
      %add3A_802 = arith.addi %mul3A_800, %add3A_801 : i32
      %get3A_803 = arith.index_cast %add3A_802 : i32 to index
      %get3A_804 = tpu.vector_load %arg5[%get3A_803] {strides = array<i32>} : memref<512xi32, #tpu.memory_space<vmem>>, vector<16xi32>,
      %get3A_805 = vector.shape_cast %get3A_804 : vector<16xi32> to vector<16xi32>
      %slice3A_806 = vector.extract_strided_slice %get3A_805 {offsets = [0], sizes = [1], strides = [1]} : vector<16xi32> to vector<1xi32>
      %squeeze3A_807 = vector.extract %slice3A_806[0] : i32 from vector<1xi32>
      %mul3A_808 = arith.constant 64 : i32
      %mul3A_809 = arith.muli %scan3A_13, %mul3A_808 : i32
      %add3A_810 = arith.constant 48 : i32
      %add3A_811 = arith.addi %mul3A_809, %add3A_810 : i32
      %add3A_812 = arith.constant 0 : i32
      %add3A_813 = arith.addi %add3A_811, %add3A_812 : i32
      %dma_start3A_814 = arith.constant 0 : i32
      %dma_start3A_815 = tpu.memref_slice %arg6[%add3A_813, %dma_start3A_814] : memref<512x64xf32, #tpu.memory_space<vmem>> -> memref<1x64xf32, #tpu.memory_space<vmem>>
      %dma_start3A_816 = arith.constant 0 : i32
      %dma_start3A_817 = tpu.memref_slice %arg3[%squeeze3A_807, %dma_start3A_816] : memref<100000x64xf32, #tpu.memory_space<hbm>> -> memref<1x64xf32, #tpu.memory_space<hbm>>
      %dma_start3A_818 = arith.constant 0 : i32
      %dma_start3A_819 = tpu.memref_slice %arg6[%add3A_813, %dma_start3A_818] : memref<512x64xf32, #tpu.memory_space<vmem>> -> memref<1x64xf32, #tpu.memory_space<vmem>>
      %dma_start3A_820 = arith.constant 0 : i32
      %dma_start3A_821 = tpu.memref_slice %arg3[%squeeze3A_807, %dma_start3A_820] : memref<100000x64xf32, #tpu.memory_space<hbm>> -> memref<1x64xf32, #tpu.memory_space<hbm>>
      tpu.enqueue_dma source(%dma_start3A_821 : memref<1x64xf32, #tpu.memory_space<hbm>>) target(%dma_start3A_819 : memref<1x64xf32, #tpu.memory_space<vmem>>) target_semaphore(%arg7 : memref<!tpu.dma_semaphore, #tpu.memory_space<semaphore_mem>>)
      %slice3A_822 = vector.extract_strided_slice %get3A_805 {offsets = [1], sizes = [1], strides = [1]} : vector<16xi32> to vector<1xi32>
      %squeeze3A_823 = vector.extract %slice3A_822[0] : i32 from vector<1xi32>
      %mul3A_824 = arith.constant 64 : i32
      %mul3A_825 = arith.muli %scan3A_13, %mul3A_824 : i32
      %add3A_826 = arith.constant 48 : i32
      %add3A_827 = arith.addi %mul3A_825, %add3A_826 : i32
      %add3A_828 = arith.constant 1 : i32
      %add3A_829 = arith.addi %add3A_827, %add3A_828 : i32
      %dma_start3A_830 = arith.constant 0 : i32
      %dma_start3A_831 = tpu.memref_slice %arg6[%add3A_829, %dma_start3A_830] : memref<512x64xf32, #tpu.memory_space<vmem>> -> memref<1x64xf32, #tpu.memory_space<vmem>>
      %dma_start3A_832 = arith.constant 0 : i32
      %dma_start3A_833 = tpu.memref_slice %arg3[%squeeze3A_823, %dma_start3A_832] : memref<100000x64xf32, #tpu.memory_space<hbm>> -> memref<1x64xf32, #tpu.memory_space<hbm>>
      %dma_start3A_834 = arith.constant 0 : i32
      %dma_start3A_835 = tpu.memref_slice %arg6[%add3A_829, %dma_start3A_834] : memref<512x64xf32, #tpu.memory_space<vmem>> -> memref<1x64xf32, #tpu.memory_space<vmem>>
      %dma_start3A_836 = arith.constant 0 : i32
      %dma_start3A_837 = tpu.memref_slice %arg3[%squeeze3A_823, %dma_start3A_836] : memref<100000x64xf32, #tpu.memory_space<hbm>> -> memref<1x64xf32, #tpu.memory_space<hbm>>
      tpu.enqueue_dma source(%dma_start3A_837 : memref<1x64xf32, #tpu.memory_space<hbm>>) target(%dma_start3A_835 : memref<1x64xf32, #tpu.memory_space<vmem>>) target_semaphore(%arg7 : memref<!tpu.dma_semaphore, #tpu.memory_space<semaphore_mem>>)
      %slice3A_838 = vector.extract_strided_slice %get3A_805 {offsets = [2], sizes = [1], strides = [1]} : vector<16xi32> to vector<1xi32>
      %squeeze3A_839 = vector.extract %slice3A_838[0] : i32 from vector<1xi32>
      %mul3A_840 = arith.constant 64 : i32
      %mul3A_841 = arith.muli %scan3A_13, %mul3A_840 : i32
      %add3A_842 = arith.constant 48 : i32
      %add3A_843 = arith.addi %mul3A_841, %add3A_842 : i32
      %add3A_844 = arith.constant 2 : i32
      %add3A_845 = arith.addi %add3A_843, %add3A_844 : i32
      %dma_start3A_846 = arith.constant 0 : i32
      %dma_start3A_847 = tpu.memref_slice %arg6[%add3A_845, %dma_start3A_846] : memref<512x64xf32, #tpu.memory_space<vmem>> -> memref<1x64xf32, #tpu.memory_space<vmem>>
      %dma_start3A_848 = arith.constant 0 : i32
      %dma_start3A_849 = tpu.memref_slice %arg3[%squeeze3A_839, %dma_start3A_848] : memref<100000x64xf32, #tpu.memory_space<hbm>> -> memref<1x64xf32, #tpu.memory_space<hbm>>
      %dma_start3A_850 = arith.constant 0 : i32
      %dma_start3A_851 = tpu.memref_slice %arg6[%add3A_845, %dma_start3A_850] : memref<512x64xf32, #tpu.memory_space<vmem>> -> memref<1x64xf32, #tpu.memory_space<vmem>>
      %dma_start3A_852 = arith.constant 0 : i32
      %dma_start3A_853 = tpu.memref_slice %arg3[%squeeze3A_839, %dma_start3A_852] : memref<100000x64xf32, #tpu.memory_space<hbm>> -> memref<1x64xf32, #tpu.memory_space<hbm>>
      tpu.enqueue_dma source(%dma_start3A_853 : memref<1x64xf32, #tpu.memory_space<hbm>>) target(%dma_start3A_851 : memref<1x64xf32, #tpu.memory_space<vmem>>) target_semaphore(%arg7 : memref<!tpu.dma_semaphore, #tpu.memory_space<semaphore_mem>>)
      %slice3A_854 = vector.extract_strided_slice %get3A_805 {offsets = [3], sizes = [1], strides = [1]} : vector<16xi32> to vector<1xi32>
      %squeeze3A_855 = vector.extract %slice3A_854[0] : i32 from vector<1xi32>
      %mul3A_856 = arith.constant 64 : i32
      %mul3A_857 = arith.muli %scan3A_13, %mul3A_856 : i32
      %add3A_858 = arith.constant 48 : i32
      %add3A_859 = arith.addi %mul3A_857, %add3A_858 : i32
      %add3A_860 = arith.constant 3 : i32
      %add3A_861 = arith.addi %add3A_859, %add3A_860 : i32
      %dma_start3A_862 = arith.constant 0 : i32
      %dma_start3A_863 = tpu.memref_slice %arg6[%add3A_861, %dma_start3A_862] : memref<512x64xf32, #tpu.memory_space<vmem>> -> memref<1x64xf32, #tpu.memory_space<vmem>>
      %dma_start3A_864 = arith.constant 0 : i32
      %dma_start3A_865 = tpu.memref_slice %arg3[%squeeze3A_855, %dma_start3A_864] : memref<100000x64xf32, #tpu.memory_space<hbm>> -> memref<1x64xf32, #tpu.memory_space<hbm>>
      %dma_start3A_866 = arith.constant 0 : i32
      %dma_start3A_867 = tpu.memref_slice %arg6[%add3A_861, %dma_start3A_866] : memref<512x64xf32, #tpu.memory_space<vmem>> -> memref<1x64xf32, #tpu.memory_space<vmem>>
      %dma_start3A_868 = arith.constant 0 : i32
      %dma_start3A_869 = tpu.memref_slice %arg3[%squeeze3A_855, %dma_start3A_868] : memref<100000x64xf32, #tpu.memory_space<hbm>> -> memref<1x64xf32, #tpu.memory_space<hbm>>
      tpu.enqueue_dma source(%dma_start3A_869 : memref<1x64xf32, #tpu.memory_space<hbm>>) target(%dma_start3A_867 : memref<1x64xf32, #tpu.memory_space<vmem>>) target_semaphore(%arg7 : memref<!tpu.dma_semaphore, #tpu.memory_space<semaphore_mem>>)
      %slice3A_870 = vector.extract_strided_slice %get3A_805 {offsets = [4], sizes = [1], strides = [1]} : vector<16xi32> to vector<1xi32>
      %squeeze3A_871 = vector.extract %slice3A_870[0] : i32 from vector<1xi32>
      %mul3A_872 = arith.constant 64 : i32
      %mul3A_873 = arith.muli %scan3A_13, %mul3A_872 : i32
      %add3A_874 = arith.constant 48 : i32
      %add3A_875 = arith.addi %mul3A_873, %add3A_874 : i32
      %add3A_876 = arith.constant 4 : i32
      %add3A_877 = arith.addi %add3A_875, %add3A_876 : i32
      %dma_start3A_878 = arith.constant 0 : i32
      %dma_start3A_879 = tpu.memref_slice %arg6[%add3A_877, %dma_start3A_878] : memref<512x64xf32, #tpu.memory_space<vmem>> -> memref<1x64xf32, #tpu.memory_space<vmem>>
      %dma_start3A_880 = arith.constant 0 : i32
      %dma_start3A_881 = tpu.memref_slice %arg3[%squeeze3A_871, %dma_start3A_880] : memref<100000x64xf32, #tpu.memory_space<hbm>> -> memref<1x64xf32, #tpu.memory_space<hbm>>
      %dma_start3A_882 = arith.constant 0 : i32
      %dma_start3A_883 = tpu.memref_slice %arg6[%add3A_877, %dma_start3A_882] : memref<512x64xf32, #tpu.memory_space<vmem>> -> memref<1x64xf32, #tpu.memory_space<vmem>>
      %dma_start3A_884 = arith.constant 0 : i32
      %dma_start3A_885 = tpu.memref_slice %arg3[%squeeze3A_871, %dma_start3A_884] : memref<100000x64xf32, #tpu.memory_space<hbm>> -> memref<1x64xf32, #tpu.memory_space<hbm>>
      tpu.enqueue_dma source(%dma_start3A_885 : memref<1x64xf32, #tpu.memory_space<hbm>>) target(%dma_start3A_883 : memref<1x64xf32, #tpu.memory_space<vmem>>) target_semaphore(%arg7 : memref<!tpu.dma_semaphore, #tpu.memory_space<semaphore_mem>>)
      %slice3A_886 = vector.extract_strided_slice %get3A_805 {offsets = [5], sizes = [1], strides = [1]} : vector<16xi32> to vector<1xi32>
      %squeeze3A_887 = vector.extract %slice3A_886[0] : i32 from vector<1xi32>
      %mul3A_888 = arith.constant 64 : i32
      %mul3A_889 = arith.muli %scan3A_13, %mul3A_888 : i32
      %add3A_890 = arith.constant 48 : i32
      %add3A_891 = arith.addi %mul3A_889, %add3A_890 : i32
      %add3A_892 = arith.constant 5 : i32
      %add3A_893 = arith.addi %add3A_891, %add3A_892 : i32
      %dma_start3A_894 = arith.constant 0 : i32
      %dma_start3A_895 = tpu.memref_slice %arg6[%add3A_893, %dma_start3A_894] : memref<512x64xf32, #tpu.memory_space<vmem>> -> memref<1x64xf32, #tpu.memory_space<vmem>>
      %dma_start3A_896 = arith.constant 0 : i32
      %dma_start3A_897 = tpu.memref_slice %arg3[%squeeze3A_887, %dma_start3A_896] : memref<100000x64xf32, #tpu.memory_space<hbm>> -> memref<1x64xf32, #tpu.memory_space<hbm>>
      %dma_start3A_898 = arith.constant 0 : i32
      %dma_start3A_899 = tpu.memref_slice %arg6[%add3A_893, %dma_start3A_898] : memref<512x64xf32, #tpu.memory_space<vmem>> -> memref<1x64xf32, #tpu.memory_space<vmem>>
      %dma_start3A_900 = arith.constant 0 : i32
      %dma_start3A_901 = tpu.memref_slice %arg3[%squeeze3A_887, %dma_start3A_900] : memref<100000x64xf32, #tpu.memory_space<hbm>> -> memref<1x64xf32, #tpu.memory_space<hbm>>
      tpu.enqueue_dma source(%dma_start3A_901 : memref<1x64xf32, #tpu.memory_space<hbm>>) target(%dma_start3A_899 : memref<1x64xf32, #tpu.memory_space<vmem>>) target_semaphore(%arg7 : memref<!tpu.dma_semaphore, #tpu.memory_space<semaphore_mem>>)
      %slice3A_902 = vector.extract_strided_slice %get3A_805 {offsets = [6], sizes = [1], strides = [1]} : vector<16xi32> to vector<1xi32>
      %squeeze3A_903 = vector.extract %slice3A_902[0] : i32 from vector<1xi32>
      %mul3A_904 = arith.constant 64 : i32
      %mul3A_905 = arith.muli %scan3A_13, %mul3A_904 : i32
      %add3A_906 = arith.constant 48 : i32
      %add3A_907 = arith.addi %mul3A_905, %add3A_906 : i32
      %add3A_908 = arith.constant 6 : i32
      %add3A_909 = arith.addi %add3A_907, %add3A_908 : i32
      %dma_start3A_910 = arith.constant 0 : i32
      %dma_start3A_911 = tpu.memref_slice %arg6[%add3A_909, %dma_start3A_910] : memref<512x64xf32, #tpu.memory_space<vmem>> -> memref<1x64xf32, #tpu.memory_space<vmem>>
      %dma_start3A_912 = arith.constant 0 : i32
      %dma_start3A_913 = tpu.memref_slice %arg3[%squeeze3A_903, %dma_start3A_912] : memref<100000x64xf32, #tpu.memory_space<hbm>> -> memref<1x64xf32, #tpu.memory_space<hbm>>
      %dma_start3A_914 = arith.constant 0 : i32
      %dma_start3A_915 = tpu.memref_slice %arg6[%add3A_909, %dma_start3A_914] : memref<512x64xf32, #tpu.memory_space<vmem>> -> memref<1x64xf32, #tpu.memory_space<vmem>>
      %dma_start3A_916 = arith.constant 0 : i32
      %dma_start3A_917 = tpu.memref_slice %arg3[%squeeze3A_903, %dma_start3A_916] : memref<100000x64xf32, #tpu.memory_space<hbm>> -> memref<1x64xf32, #tpu.memory_space<hbm>>
      tpu.enqueue_dma source(%dma_start3A_917 : memref<1x64xf32, #tpu.memory_space<hbm>>) target(%dma_start3A_915 : memref<1x64xf32, #tpu.memory_space<vmem>>) target_semaphore(%arg7 : memref<!tpu.dma_semaphore, #tpu.memory_space<semaphore_mem>>)
      %slice3A_918 = vector.extract_strided_slice %get3A_805 {offsets = [7], sizes = [1], strides = [1]} : vector<16xi32> to vector<1xi32>
      %squeeze3A_919 = vector.extract %slice3A_918[0] : i32 from vector<1xi32>
      %mul3A_920 = arith.constant 64 : i32
      %mul3A_921 = arith.muli %scan3A_13, %mul3A_920 : i32
      %add3A_922 = arith.constant 48 : i32
      %add3A_923 = arith.addi %mul3A_921, %add3A_922 : i32
      %add3A_924 = arith.constant 7 : i32
      %add3A_925 = arith.addi %add3A_923, %add3A_924 : i32
      %dma_start3A_926 = arith.constant 0 : i32
      %dma_start3A_927 = tpu.memref_slice %arg6[%add3A_925, %dma_start3A_926] : memref<512x64xf32, #tpu.memory_space<vmem>> -> memref<1x64xf32, #tpu.memory_space<vmem>>
      %dma_start3A_928 = arith.constant 0 : i32
      %dma_start3A_929 = tpu.memref_slice %arg3[%squeeze3A_919, %dma_start3A_928] : memref<100000x64xf32, #tpu.memory_space<hbm>> -> memref<1x64xf32, #tpu.memory_space<hbm>>
      %dma_start3A_930 = arith.constant 0 : i32
      %dma_start3A_931 = tpu.memref_slice %arg6[%add3A_925, %dma_start3A_930] : memref<512x64xf32, #tpu.memory_space<vmem>> -> memref<1x64xf32, #tpu.memory_space<vmem>>
      %dma_start3A_932 = arith.constant 0 : i32
      %dma_start3A_933 = tpu.memref_slice %arg3[%squeeze3A_919, %dma_start3A_932] : memref<100000x64xf32, #tpu.memory_space<hbm>> -> memref<1x64xf32, #tpu.memory_space<hbm>>
      tpu.enqueue_dma source(%dma_start3A_933 : memref<1x64xf32, #tpu.memory_space<hbm>>) target(%dma_start3A_931 : memref<1x64xf32, #tpu.memory_space<vmem>>) target_semaphore(%arg7 : memref<!tpu.dma_semaphore, #tpu.memory_space<semaphore_mem>>)
      %slice3A_934 = vector.extract_strided_slice %get3A_805 {offsets = [8], sizes = [1], strides = [1]} : vector<16xi32> to vector<1xi32>
      %squeeze3A_935 = vector.extract %slice3A_934[0] : i32 from vector<1xi32>
      %mul3A_936 = arith.constant 64 : i32
      %mul3A_937 = arith.muli %scan3A_13, %mul3A_936 : i32
      %add3A_938 = arith.constant 48 : i32
      %add3A_939 = arith.addi %mul3A_937, %add3A_938 : i32
      %add3A_940 = arith.constant 8 : i32
      %add3A_941 = arith.addi %add3A_939, %add3A_940 : i32
      %dma_start3A_942 = arith.constant 0 : i32
      %dma_start3A_943 = tpu.memref_slice %arg6[%add3A_941, %dma_start3A_942] : memref<512x64xf32, #tpu.memory_space<vmem>> -> memref<1x64xf32, #tpu.memory_space<vmem>>
      %dma_start3A_944 = arith.constant 0 : i32
      %dma_start3A_945 = tpu.memref_slice %arg3[%squeeze3A_935, %dma_start3A_944] : memref<100000x64xf32, #tpu.memory_space<hbm>> -> memref<1x64xf32, #tpu.memory_space<hbm>>
      %dma_start3A_946 = arith.constant 0 : i32
      %dma_start3A_947 = tpu.memref_slice %arg6[%add3A_941, %dma_start3A_946] : memref<512x64xf32, #tpu.memory_space<vmem>> -> memref<1x64xf32, #tpu.memory_space<vmem>>
      %dma_start3A_948 = arith.constant 0 : i32
      %dma_start3A_949 = tpu.memref_slice %arg3[%squeeze3A_935, %dma_start3A_948] : memref<100000x64xf32, #tpu.memory_space<hbm>> -> memref<1x64xf32, #tpu.memory_space<hbm>>
      tpu.enqueue_dma source(%dma_start3A_949 : memref<1x64xf32, #tpu.memory_space<hbm>>) target(%dma_start3A_947 : memref<1x64xf32, #tpu.memory_space<vmem>>) target_semaphore(%arg7 : memref<!tpu.dma_semaphore, #tpu.memory_space<semaphore_mem>>)
      %slice3A_950 = vector.extract_strided_slice %get3A_805 {offsets = [9], sizes = [1], strides = [1]} : vector<16xi32> to vector<1xi32>
      %squeeze3A_951 = vector.extract %slice3A_950[0] : i32 from vector<1xi32>
      %mul3A_952 = arith.constant 64 : i32
      %mul3A_953 = arith.muli %scan3A_13, %mul3A_952 : i32
      %add3A_954 = arith.constant 48 : i32
      %add3A_955 = arith.addi %mul3A_953, %add3A_954 : i32
      %add3A_956 = arith.constant 9 : i32
      %add3A_957 = arith.addi %add3A_955, %add3A_956 : i32
      %dma_start3A_958 = arith.constant 0 : i32
      %dma_start3A_959 = tpu.memref_slice %arg6[%add3A_957, %dma_start3A_958] : memref<512x64xf32, #tpu.memory_space<vmem>> -> memref<1x64xf32, #tpu.memory_space<vmem>>
      %dma_start3A_960 = arith.constant 0 : i32
      %dma_start3A_961 = tpu.memref_slice %arg3[%squeeze3A_951, %dma_start3A_960] : memref<100000x64xf32, #tpu.memory_space<hbm>> -> memref<1x64xf32, #tpu.memory_space<hbm>>
      %dma_start3A_962 = arith.constant 0 : i32
      %dma_start3A_963 = tpu.memref_slice %arg6[%add3A_957, %dma_start3A_962] : memref<512x64xf32, #tpu.memory_space<vmem>> -> memref<1x64xf32, #tpu.memory_space<vmem>>
      %dma_start3A_964 = arith.constant 0 : i32
      %dma_start3A_965 = tpu.memref_slice %arg3[%squeeze3A_951, %dma_start3A_964] : memref<100000x64xf32, #tpu.memory_space<hbm>> -> memref<1x64xf32, #tpu.memory_space<hbm>>
      tpu.enqueue_dma source(%dma_start3A_965 : memref<1x64xf32, #tpu.memory_space<hbm>>) target(%dma_start3A_963 : memref<1x64xf32, #tpu.memory_space<vmem>>) target_semaphore(%arg7 : memref<!tpu.dma_semaphore, #tpu.memory_space<semaphore_mem>>)
      %slice3A_966 = vector.extract_strided_slice %get3A_805 {offsets = [10], sizes = [1], strides = [1]} : vector<16xi32> to vector<1xi32>
      %squeeze3A_967 = vector.extract %slice3A_966[0] : i32 from vector<1xi32>
      %mul3A_968 = arith.constant 64 : i32
      %mul3A_969 = arith.muli %scan3A_13, %mul3A_968 : i32
      %add3A_970 = arith.constant 48 : i32
      %add3A_971 = arith.addi %mul3A_969, %add3A_970 : i32
      %add3A_972 = arith.constant 10 : i32
      %add3A_973 = arith.addi %add3A_971, %add3A_972 : i32
      %dma_start3A_974 = arith.constant 0 : i32
      %dma_start3A_975 = tpu.memref_slice %arg6[%add3A_973, %dma_start3A_974] : memref<512x64xf32, #tpu.memory_space<vmem>> -> memref<1x64xf32, #tpu.memory_space<vmem>>
      %dma_start3A_976 = arith.constant 0 : i32
      %dma_start3A_977 = tpu.memref_slice %arg3[%squeeze3A_967, %dma_start3A_976] : memref<100000x64xf32, #tpu.memory_space<hbm>> -> memref<1x64xf32, #tpu.memory_space<hbm>>
      %dma_start3A_978 = arith.constant 0 : i32
      %dma_start3A_979 = tpu.memref_slice %arg6[%add3A_973, %dma_start3A_978] : memref<512x64xf32, #tpu.memory_space<vmem>> -> memref<1x64xf32, #tpu.memory_space<vmem>>
      %dma_start3A_980 = arith.constant 0 : i32
      %dma_start3A_981 = tpu.memref_slice %arg3[%squeeze3A_967, %dma_start3A_980] : memref<100000x64xf32, #tpu.memory_space<hbm>> -> memref<1x64xf32, #tpu.memory_space<hbm>>
      tpu.enqueue_dma source(%dma_start3A_981 : memref<1x64xf32, #tpu.memory_space<hbm>>) target(%dma_start3A_979 : memref<1x64xf32, #tpu.memory_space<vmem>>) target_semaphore(%arg7 : memref<!tpu.dma_semaphore, #tpu.memory_space<semaphore_mem>>)
      %slice3A_982 = vector.extract_strided_slice %get3A_805 {offsets = [11], sizes = [1], strides = [1]} : vector<16xi32> to vector<1xi32>
      %squeeze3A_983 = vector.extract %slice3A_982[0] : i32 from vector<1xi32>
      %mul3A_984 = arith.constant 64 : i32
      %mul3A_985 = arith.muli %scan3A_13, %mul3A_984 : i32
      %add3A_986 = arith.constant 48 : i32
      %add3A_987 = arith.addi %mul3A_985, %add3A_986 : i32
      %add3A_988 = arith.constant 11 : i32
      %add3A_989 = arith.addi %add3A_987, %add3A_988 : i32
      %dma_start3A_990 = arith.constant 0 : i32
      %dma_start3A_991 = tpu.memref_slice %arg6[%add3A_989, %dma_start3A_990] : memref<512x64xf32, #tpu.memory_space<vmem>> -> memref<1x64xf32, #tpu.memory_space<vmem>>
      %dma_start3A_992 = arith.constant 0 : i32
      %dma_start3A_993 = tpu.memref_slice %arg3[%squeeze3A_983, %dma_start3A_992] : memref<100000x64xf32, #tpu.memory_space<hbm>> -> memref<1x64xf32, #tpu.memory_space<hbm>>
      %dma_start3A_994 = arith.constant 0 : i32
      %dma_start3A_995 = tpu.memref_slice %arg6[%add3A_989, %dma_start3A_994] : memref<512x64xf32, #tpu.memory_space<vmem>> -> memref<1x64xf32, #tpu.memory_space<vmem>>
      %dma_start3A_996 = arith.constant 0 : i32
      %dma_start3A_997 = tpu.memref_slice %arg3[%squeeze3A_983, %dma_start3A_996] : memref<100000x64xf32, #tpu.memory_space<hbm>> -> memref<1x64xf32, #tpu.memory_space<hbm>>
      tpu.enqueue_dma source(%dma_start3A_997 : memref<1x64xf32, #tpu.memory_space<hbm>>) target(%dma_start3A_995 : memref<1x64xf32, #tpu.memory_space<vmem>>) target_semaphore(%arg7 : memref<!tpu.dma_semaphore, #tpu.memory_space<semaphore_mem>>)
      %slice3A_998 = vector.extract_strided_slice %get3A_805 {offsets = [12], sizes = [1], strides = [1]} : vector<16xi32> to vector<1xi32>
      %squeeze3A_999 = vector.extract %slice3A_998[0] : i32 from vector<1xi32>
      %mul3A_1000 = arith.constant 64 : i32
      %mul3A_1001 = arith.muli %scan3A_13, %mul3A_1000 : i32
      %add3A_1002 = arith.constant 48 : i32
      %add3A_1003 = arith.addi %mul3A_1001, %add3A_1002 : i32
      %add3A_1004 = arith.constant 12 : i32
      %add3A_1005 = arith.addi %add3A_1003, %add3A_1004 : i32
      %dma_start3A_1006 = arith.constant 0 : i32
      %dma_start3A_1007 = tpu.memref_slice %arg6[%add3A_1005, %dma_start3A_1006] : memref<512x64xf32, #tpu.memory_space<vmem>> -> memref<1x64xf32, #tpu.memory_space<vmem>>
      %dma_start3A_1008 = arith.constant 0 : i32
      %dma_start3A_1009 = tpu.memref_slice %arg3[%squeeze3A_999, %dma_start3A_1008] : memref<100000x64xf32, #tpu.memory_space<hbm>> -> memref<1x64xf32, #tpu.memory_space<hbm>>
      %dma_start3A_1010 = arith.constant 0 : i32
      %dma_start3A_1011 = tpu.memref_slice %arg6[%add3A_1005, %dma_start3A_1010] : memref<512x64xf32, #tpu.memory_space<vmem>> -> memref<1x64xf32, #tpu.memory_space<vmem>>
      %dma_start3A_1012 = arith.constant 0 : i32
      %dma_start3A_1013 = tpu.memref_slice %arg3[%squeeze3A_999, %dma_start3A_1012] : memref<100000x64xf32, #tpu.memory_space<hbm>> -> memref<1x64xf32, #tpu.memory_space<hbm>>
      tpu.enqueue_dma source(%dma_start3A_1013 : memref<1x64xf32, #tpu.memory_space<hbm>>) target(%dma_start3A_1011 : memref<1x64xf32, #tpu.memory_space<vmem>>) target_semaphore(%arg7 : memref<!tpu.dma_semaphore, #tpu.memory_space<semaphore_mem>>)
      %slice3A_1014 = vector.extract_strided_slice %get3A_805 {offsets = [13], sizes = [1], strides = [1]} : vector<16xi32> to vector<1xi32>
      %squeeze3A_1015 = vector.extract %slice3A_1014[0] : i32 from vector<1xi32>
      %mul3A_1016 = arith.constant 64 : i32
      %mul3A_1017 = arith.muli %scan3A_13, %mul3A_1016 : i32
      %add3A_1018 = arith.constant 48 : i32
      %add3A_1019 = arith.addi %mul3A_1017, %add3A_1018 : i32
      %add3A_1020 = arith.constant 13 : i32
      %add3A_1021 = arith.addi %add3A_1019, %add3A_1020 : i32
      %dma_start3A_1022 = arith.constant 0 : i32
      %dma_start3A_1023 = tpu.memref_slice %arg6[%add3A_1021, %dma_start3A_1022] : memref<512x64xf32, #tpu.memory_space<vmem>> -> memref<1x64xf32, #tpu.memory_space<vmem>>
      %dma_start3A_1024 = arith.constant 0 : i32
      %dma_start3A_1025 = tpu.memref_slice %arg3[%squeeze3A_1015, %dma_start3A_1024] : memref<100000x64xf32, #tpu.memory_space<hbm>> -> memref<1x64xf32, #tpu.memory_space<hbm>>
      %dma_start3A_1026 = arith.constant 0 : i32
      %dma_start3A_1027 = tpu.memref_slice %arg6[%add3A_1021, %dma_start3A_1026] : memref<512x64xf32, #tpu.memory_space<vmem>> -> memref<1x64xf32, #tpu.memory_space<vmem>>
      %dma_start3A_1028 = arith.constant 0 : i32
      %dma_start3A_1029 = tpu.memref_slice %arg3[%squeeze3A_1015, %dma_start3A_1028] : memref<100000x64xf32, #tpu.memory_space<hbm>> -> memref<1x64xf32, #tpu.memory_space<hbm>>
      tpu.enqueue_dma source(%dma_start3A_1029 : memref<1x64xf32, #tpu.memory_space<hbm>>) target(%dma_start3A_1027 : memref<1x64xf32, #tpu.memory_space<vmem>>) target_semaphore(%arg7 : memref<!tpu.dma_semaphore, #tpu.memory_space<semaphore_mem>>)
      %slice3A_1030 = vector.extract_strided_slice %get3A_805 {offsets = [14], sizes = [1], strides = [1]} : vector<16xi32> to vector<1xi32>
      %squeeze3A_1031 = vector.extract %slice3A_1030[0] : i32 from vector<1xi32>
      %mul3A_1032 = arith.constant 64 : i32
      %mul3A_1033 = arith.muli %scan3A_13, %mul3A_1032 : i32
      %add3A_1034 = arith.constant 48 : i32
      %add3A_1035 = arith.addi %mul3A_1033, %add3A_1034 : i32
      %add3A_1036 = arith.constant 14 : i32
      %add3A_1037 = arith.addi %add3A_1035, %add3A_1036 : i32
      %dma_start3A_1038 = arith.constant 0 : i32
      %dma_start3A_1039 = tpu.memref_slice %arg6[%add3A_1037, %dma_start3A_1038] : memref<512x64xf32, #tpu.memory_space<vmem>> -> memref<1x64xf32, #tpu.memory_space<vmem>>
      %dma_start3A_1040 = arith.constant 0 : i32
      %dma_start3A_1041 = tpu.memref_slice %arg3[%squeeze3A_1031, %dma_start3A_1040] : memref<100000x64xf32, #tpu.memory_space<hbm>> -> memref<1x64xf32, #tpu.memory_space<hbm>>
      %dma_start3A_1042 = arith.constant 0 : i32
      %dma_start3A_1043 = tpu.memref_slice %arg6[%add3A_1037, %dma_start3A_1042] : memref<512x64xf32, #tpu.memory_space<vmem>> -> memref<1x64xf32, #tpu.memory_space<vmem>>
      %dma_start3A_1044 = arith.constant 0 : i32
      %dma_start3A_1045 = tpu.memref_slice %arg3[%squeeze3A_1031, %dma_start3A_1044] : memref<100000x64xf32, #tpu.memory_space<hbm>> -> memref<1x64xf32, #tpu.memory_space<hbm>>
      tpu.enqueue_dma source(%dma_start3A_1045 : memref<1x64xf32, #tpu.memory_space<hbm>>) target(%dma_start3A_1043 : memref<1x64xf32, #tpu.memory_space<vmem>>) target_semaphore(%arg7 : memref<!tpu.dma_semaphore, #tpu.memory_space<semaphore_mem>>)
      %slice3A_1046 = vector.extract_strided_slice %get3A_805 {offsets = [15], sizes = [1], strides = [1]} : vector<16xi32> to vector<1xi32>
      %squeeze3A_1047 = vector.extract %slice3A_1046[0] : i32 from vector<1xi32>
      %mul3A_1048 = arith.constant 64 : i32
      %mul3A_1049 = arith.muli %scan3A_13, %mul3A_1048 : i32
      %add3A_1050 = arith.constant 48 : i32
      %add3A_1051 = arith.addi %mul3A_1049, %add3A_1050 : i32
      %add3A_1052 = arith.constant 15 : i32
      %add3A_1053 = arith.addi %add3A_1051, %add3A_1052 : i32
      %dma_start3A_1054 = arith.constant 0 : i32
      %dma_start3A_1055 = tpu.memref_slice %arg6[%add3A_1053, %dma_start3A_1054] : memref<512x64xf32, #tpu.memory_space<vmem>> -> memref<1x64xf32, #tpu.memory_space<vmem>>
      %dma_start3A_1056 = arith.constant 0 : i32
      %dma_start3A_1057 = tpu.memref_slice %arg3[%squeeze3A_1047, %dma_start3A_1056] : memref<100000x64xf32, #tpu.memory_space<hbm>> -> memref<1x64xf32, #tpu.memory_space<hbm>>
      %dma_start3A_1058 = arith.constant 0 : i32
      %dma_start3A_1059 = tpu.memref_slice %arg6[%add3A_1053, %dma_start3A_1058] : memref<512x64xf32, #tpu.memory_space<vmem>> -> memref<1x64xf32, #tpu.memory_space<vmem>>
      %dma_start3A_1060 = arith.constant 0 : i32
      %dma_start3A_1061 = tpu.memref_slice %arg3[%squeeze3A_1047, %dma_start3A_1060] : memref<100000x64xf32, #tpu.memory_space<hbm>> -> memref<1x64xf32, #tpu.memory_space<hbm>>
      tpu.enqueue_dma source(%dma_start3A_1061 : memref<1x64xf32, #tpu.memory_space<hbm>>) target(%dma_start3A_1059 : memref<1x64xf32, #tpu.memory_space<vmem>>) target_semaphore(%arg7 : memref<!tpu.dma_semaphore, #tpu.memory_space<semaphore_mem>>)
    }
    %scan3A_7 = arith.constant 8 : i32
    %dma_wait3A = arith.constant 0 : i32
    %dma_wait3A_8 = arith.constant 0 : i32
    %dma_wait3A_9 = tpu.memref_slice %arg3[%dma_wait3A, %dma_wait3A_8] : memref<100000x64xf32, #tpu.memory_space<hbm>> -> memref<512x64xf32, #tpu.memory_space<hbm>>
    %dma_wait3A_10 = arith.constant 0 : i32
    %dma_wait3A_11 = arith.constant 0 : i32
    %dma_wait3A_12 = tpu.memref_slice %arg3[%dma_wait3A_10, %dma_wait3A_11] : memref<100000x64xf32, #tpu.memory_space<hbm>> -> memref<512x64xf32, #tpu.memory_space<hbm>>
    tpu.wait_dma2 semaphore(%arg7 : memref<!tpu.dma_semaphore, #tpu.memory_space<semaphore_mem>>) src(%dma_wait3A_12 : memref<512x64xf32, #tpu.memory_space<hbm>>) dst(%arg6 : memref<512x64xf32, #tpu.memory_space<vmem>>)
    "tpu.region"() ({
      %run_scoped3A = tpu.sem_alloc : memref<!tpu.dma_semaphore, #tpu.memory_space<semaphore_mem>>
      %dma_start3A = arith.constant 0 : i32
      %dma_start3A_13 = tpu.memref_slice %arg4[%mul3A_2, %dma_start3A] : memref<16384x64xf32, #tpu.memory_space<hbm>> -> memref<512x64xf32, #tpu.memory_space<hbm>>
      %dma_start3A_14 = arith.constant 0 : i32
      %dma_start3A_15 = tpu.memref_slice %arg4[%mul3A_2, %dma_start3A_14] : memref<16384x64xf32, #tpu.memory_space<hbm>> -> memref<512x64xf32, #tpu.memory_space<hbm>>
      tpu.enqueue_dma source(%arg6 : memref<512x64xf32, #tpu.memory_space<vmem>>) target(%dma_start3A_15 : memref<512x64xf32, #tpu.memory_space<hbm>>) target_semaphore(%run_scoped3A : memref<!tpu.dma_semaphore, #tpu.memory_space<semaphore_mem>>)
      %dma_wait3A_16 = arith.constant 0 : i32
      %dma_wait3A_17 = tpu.memref_slice %arg4[%mul3A_2, %dma_wait3A_16] : memref<16384x64xf32, #tpu.memory_space<hbm>> -> memref<512x64xf32, #tpu.memory_space<hbm>>
      %dma_wait3A_18 = arith.constant 0 : i32
      %dma_wait3A_19 = tpu.memref_slice %arg4[%mul3A_2, %dma_wait3A_18] : memref<16384x64xf32, #tpu.memory_space<hbm>> -> memref<512x64xf32, #tpu.memory_space<hbm>>
      tpu.wait_dma2 semaphore(%run_scoped3A : memref<!tpu.dma_semaphore, #tpu.memory_space<semaphore_mem>>) src(%arg6 : memref<512x64xf32, #tpu.memory_space<vmem>>) dst(%dma_wait3A_19 : memref<512x64xf32, #tpu.memory_space<hbm>>)
      tpu.yield
    }) : () -> ()
    return
  }
}

</mosaic_0001>

<sc_bundles>
// kernel: kernel.3.cloned.1.call-start
scs
__scs_entry_jumppad:
0x0: {  	(pc) =	sbr.rel $0x88, $3  }
0x1: {  	(tag) =	ssettag $0x0;
	lr =	simm.s32 $0x1  }
0x2: {  	[smem:$0x3F9F] =	sst lr;
	_ =	strace $0xD0000000  }
0x3: {  	_ = 	snop  }
0x4: {  	_ = 	snop  }
0x5: {  	_ = 	snop  }
0x6: {  	_ = 	snop  }
0x7: {  	_ = 	snop  }
__scs_overlays_trampoline_lowered:
0x8: {  	[smem:$0x3FAE] =	sst s0  }
0x9: {  	[smem:$0x3FAF] =	sst s1  }
0xa: {  	[smem:$0x3FB0] =	sst s2  }
0xb: {  	[smem:$0x3FB1] =	sst s3  }
0xc: {  	[smem:$0x3FB2] =	sst s4  }
0xd: {  	[smem:$0x3FB3] =	sst s5  }
0xe: {  	[smem:$0x3FB4] =	sst s6  }
0xf: {  	[smem:$0x3FB5] =	sst s7  }
0x10: {  	[smem:$0x3FB6] =	sst s8  }
0x11: {  	[smem:$0x3FB7] =	sst s9;
	s0 =	simm.s32 @!p0 $0x0  }
0x12: {  	s1 =	sld [smem:$0x3F9D];
	s0 =	simm.s32 @p0 $0x1  }
0x13: {  	[smem:$0x3FB8] =	sst s0;
	s0 =	simm.s32 @!p1 $0x0  }
0x14: {  	s2 =	sld [smem:$0x3F9C];
	s0 =	simm.s32 @p1 $0x1  }
0x15: {  	[smem:$0x3FB9] =	sst s0;
	s0 =	simm.s32 @!p2 $0x0  }
0x16: {  	s3 =	sld [smem:$0x3FDB];
	s0 =	simm.s32 @p2 $0x1  }
0x17: {  	s4 =	simm.s32 $0x1BF5;
	[smem:$0x3FBB] =	sst s0  }
0x18: {  	s0 =	sld [smem:$0x3F9E];
	_ =	swait.ge [sflag:s4], $0x0  }
0x19: {  	s7 =	sld [smem:$0x3F9F]  }
0x1a: {  	s8 =	sadd.s32 $0xFFFFE003, lr  }
0x1b: {  	s9 =	sadd.s32 $0xFFFFFEF7, lr;
	s5 =	simm.s32 $0xFFFFFFFF;
	p2 =	slt.u32 s8, $0xFFFFF086  }
0x1c: {  	p1 =	slt.u32 s9, $0xF7A;
	s5 =	simm.s32 @!p2 $0x0  }
0x1d: {  	s5 =	simm.s32 @p1 $0x1;
	p0 =	seq.s32 s7, s2  }
0x1e: {  	s7 =	smul.u32 @!p0 $0xF7A, s2;
	p2 =	seq.s32 @!p0 s5, $0x0  }
0x1f: {  	s9 =	smul.u32 $0xF7A, s1;
	s8 =	simm.s32 @!p0 $0x1BF5;
	p2 =	por !p2, p0  }
0x20: {  	[sflag:s8] =	ssyncset.s32 @!p0 $0xFFFFF086;
	s6 =	sadd.s32 @!p0 s3, s7;
	s7 =	simm.s32 @!p0 $0x108  }
0x21: {  	s3 =	sadd.s32 s3, s9;
	s6 =	sadd.s32 @!p0 $0x88, s6;
	s7 =	simm.s32 @p2 $0x1082  }
0x22: {  	[simem:s7], [sflag:s8] =	dma.local @!p0 [hbm:s6], $0xF7A  }
0x23: {  	s9 =	sor.u32 $0xD0000000, s2;
	s6 =	simm.s32 $0x108;
	_ =	swait.ge @!p0 [sflag:s8], $0x0  }
0x24: {  	s3 =	sadd.s32 $0x88, s3;
	s6 =	simm.s32 @!p1 $0x1082;
	[sflag:s4] =	ssyncset.s32 $0xFFFFF086  }
0x25: {  	[simem:s6], [sflag:s4] =	dma.local [hbm:s3], $0xF7A  }
0x26: {  	[smem:$0x3F9F] =	sst s1;
	(tag) =	ssettag s2;
	_ =	strace s9  }
0x27: {  	s1 =	sld [smem:$0x3FAF]  }
0x28: {  	s2 =	sld [smem:$0x3FB0]  }
0x29: {  	s4 =	sld [smem:$0x3FB2]  }
0x2a: {  	p0 =	seq.s32 s5, $0x0;
	s5 =	sld [smem:$0x3FB3]  }
0x2b: {  	s6 =	sld [smem:$0x3FB4]  }
0x2c: {  	s7 =	sld [smem:$0x3FB5]  }
0x2d: {  	s3 =	simm.s32 $0x108;
	s8 =	sld [smem:$0x3FB6]  }
0x2e: {  	s3 =	simm.s32 @!p0 $0x1082;
	s9 =	sld [smem:$0x3FB7]  }
0x2f: {  	lr =	sadd.s32 s0, s3;
	s0 =	sld [smem:$0x3FAE]  }
0x30: {  	s3 =	sld [smem:$0x3FB1]  }
0x31: {  	[smem:$0x3FBA] =	sst s10  }
0x32: {  	s10 =	sld [smem:$0x3FB8];
	_ =	sdelay $0x3  }
0x33: {  	p0 =	seq.s32 s10, $0x1;
	s10 =	sld [smem:$0x3FBA];
	_ =	sdelay $0x3  }
0x34: {  	[smem:$0x3FBA] =	sst s10  }
0x35: {  	s10 =	sld [smem:$0x3FB9];
	_ =	sdelay $0x3  }
0x36: {  	p1 =	seq.s32 s10, $0x1;
	s10 =	sld [smem:$0x3FBA];
	_ =	sdelay $0x3  }
0x37: {  	[smem:$0x3FBA] =	sst s10  }
0x38: {  	s10 =	sld [smem:$0x3FBB]  }
0x39: {  	_ = 	snop;
	(pc) =	sbr.ind lr, $3  }
0x3a: {  	_ = 	snop  }
0x3b: {  	_ = 	snop  }
0x3c: {  	p2 =	seq.s32 s10, $0x1;
	s10 =	sld [smem:$0x3FBA]  }
0x3d: {  	_ =	shalt  }
0x3e: {  	_ =	shalt  }
0x3f: {  	_ =	shalt  }
0x40: {  	_ =	shalt  }
0x41: {  	_ =	shalt  }
0x42: {  	_ =	shalt  }
0x43: {  	_ =	shalt  }
0x44: {  	_ =	shalt  }
0x45: {  	_ =	shalt  }
0x46: {  	_ =	shalt  }
0x47: {  	_ =	shalt  }
0x48: {  	_ =	shalt  }
0x49: {  	_ =	shalt  }
0x4a: {  	_ =	shalt  }
0x4b: {  	_ =	shalt  }
0x4c: {  	_ =	shalt  }
0x4d: {  	_ =	shalt  }
0x4e: {  	_ =	shalt  }
0x4f: {  	_ =	shalt  }
0x50: {  	_ =	shalt  }
0x51: {  	_ =	shalt  }
0x52: {  	_ =	shalt  }
0x53: {  	_ =	shalt  }
0x54: {  	_ =	shalt  }
0x55: {  	_ =	shalt  }
0x56: {  	_ =	shalt  }
0x57: {  	_ =	shalt  }
0x58: {  	_ =	shalt  }
0x59: {  	_ =	shalt  }
0x5a: {  	_ =	shalt  }
0x5b: {  	_ =	shalt  }
0x5c: {  	_ =	shalt  }
0x5d: {  	_ =	shalt  }
0x5e: {  	_ =	shalt  }
0x5f: {  	_ =	shalt  }
0x60: {  	_ =	shalt  }
0x61: {  	_ =	shalt  }
0x62: {  	_ =	shalt  }
0x63: {  	_ =	shalt  }
0x64: {  	_ =	shalt  }
0x65: {  	_ =	shalt  }
0x66: {  	_ =	shalt  }
0x67: {  	_ =	shalt  }
0x68: {  	_ =	shalt  }
0x69: {  	_ =	shalt  }
0x6a: {  	_ =	shalt  }
0x6b: {  	_ =	shalt  }
0x6c: {  	_ =	shalt  }
0x6d: {  	_ =	shalt  }
0x6e: {  	_ =	shalt  }
0x6f: {  	_ =	shalt  }
0x70: {  	_ =	shalt  }
0x71: {  	_ =	shalt  }
0x72: {  	_ =	shalt  }
0x73: {  	_ =	shalt  }
0x74: {  	_ =	shalt  }
0x75: {  	_ =	shalt  }
0x76: {  	_ =	shalt  }
0x77: {  	_ =	shalt  }
0x78: {  	_ =	shalt  }
0x79: {  	_ =	shalt  }
0x7a: {  	_ =	shalt  }
0x7b: {  	_ =	shalt  }
0x7c: {  	_ =	shalt  }
0x7d: {  	_ =	shalt  }
0x7e: {  	_ =	shalt  }
0x7f: {  	_ =	shalt  }
0x80: {  	_ =	shalt  }
0x81: {  	_ =	shalt  }
0x82: {  	_ =	shalt  }
0x83: {  	_ =	shalt  }
0x84: {  	_ =	shalt  }
0x85: {  	_ =	shalt  }
0x86: {  	_ =	shalt  }
0x87: {  	_ =	shalt  }
.Lfunc_end0:
.L_simem_size_0:
called_computation_lowered:
.L_overlay_start_0:
0x88: {  	s2 =	sld [smem:$0x3FD9]  }
0x89: {  	s3 =	sld [smem:$0x3FFE];
	_ =	sdelay $0x1  }
0x8a: {  	s1 =	srdreg.scid  }
0x8b: {  	s0 =	sand.u32 $0x1, s1  }
0x8c: {  	s17 =	sshll.u32 s0, $0xA;
	s2 =	sadd.s32 s3, s2  }
0x8d: {  	s2 =	sadd.s32 s2, s17  }
0x8e: {  	[smem:$0x3FC6] =	sst s2  }
0x8f: {  	_ = 	snop  }
0x90: {  	s2 =	sld [smem:$0x3FC9];
	(tm) =	ssettm $0x1  }
0x91: {  	s18 =	sld [smem:$0x3FFB];
	_ =	sdelay $0x3  }
0x92: {  	_ =	strace s18  }
0x93: {  	s3 =	sld [smem:$0x3FFC];
	_ =	sdelay $0x3  }
0x94: {  	_ =	strace s3  }
0x95: {  	s3 =	sld [smem:$0x3FFD];
	_ =	sdelay $0x3  }
0x96: {  	_ =	strace s3  }
0x97: {  	_ =	strace $0x8FFFFFFF  }
0x98: {  	s19 =	sld [smem:$0x3FDB];
	_ =	sdelay $0x1  }
0x99: {  	s4 =	simm.s32 $_scs_section_size  }
0x9a: {  	s5 =	simm.s32 $_size__tile_overlayer_lowered;
	s6 =	simm.s32 $_tile_overlayer_lowered  }
0x9b: {  	s22 =	simm.s32 $0x1BFF;
	s21 =	sshll.u32 s6, $0x1;
	s3 =	sadd.s32 s4, s19  }
0x9c: {  	s7 =	simm.s32 $0x0;
	s20 =	sshll.u32 s5, $0x1;
	s5 =	sadd.s32 s21, s3  }
0x9d: {  	[timem:s7], [sflag:s22] =	dma.local [hbm:s5], s20  }
0x9e: {  	_ =	swait.ge [sflag:s22], s20  }
0x9f: {  	s4 =	ssub.s32 $0x0, s20;
	[sflag:s22] =	ssyncset.done $0x0  }
0xa0: {  	[sflag:s22] =	ssyncadd.s32 s4;
	_ =	sdelay $0x1  }
0xa1: {  	s23 =	simm.s32 $0x1B8B  }
0xa2: {  	_ =	swait.ge [sflag:s23], $0x1  }
0xa3: {  	[sflag:s23] =	ssyncset.done $0x0  }
0xa4: {  	s25 =	simm.s32 $0x1B8E;
	s24 =	sld [smem:$0x3FFE];
	[sflag:s23] =	ssyncadd.s32 $0xFFFFFFFF  }
0xa5: {  	s26 =	simm.s32 $execute0_lowered;
	[smem:$0x3FD2] =	sst s25  }
0xa6: {  	s5 =	sshll.u32 s26, $0x1;
	_ =	strace $0x80000046;
	[dreg:$0x1] =	wrdreg $0xFFFFFFFF  }
0xa7: {  	s28 =	simm.s32 $_size_execute0_lowered;
	s3 =	sadd.s32 s3, s5;
	[dreg:$0x0] =	wrdreg $0x0  }
0xa8: {  	s5 =	sshll.u32 s28, $0x1;
	[dreg:$0x2] =	wrdreg s3  }
0xa9: {  	[dreg:$0x3] =	wrdreg s5  }
0xaa: {  	[dreg:$0x4] =	wrdreg $0xC0  }
0xab: {  	_ =	task [dreg:s7], $0x5FFFF  }
0xac: {  	[dreg:$0x1] =	wrdreg $0xFFFFFFFF  }
0xad: {  	[dreg:$0x0] =	wrdreg $0x60  }
0xae: {  	[dreg:$0x2] =	wrdreg s2  }
0xaf: {  	[dreg:$0x3] =	wrdreg s24  }
0xb0: {  	[dreg:$0x4] =	wrdreg $0x9  }
0xb1: {  	_ =	task.clear_ibuf [dreg:s7], $0x5FFFF;
	_ =	strace $0x90000046  }
0xb2: {  	s29 =	simm.s32 $0x9;
	_ =	strace $0x80000048  }
0xb3: {  	_ =	swait.ge [sflag:s29], $0x1  }
0xb4: {  	[sflag:s29] =	ssyncadd.s32 $0xFFFFFFFF  }
0xb5: {  	_ =	strace $0x90000048  }
0xb6: {  	_ =	sfence  }
0xb7: {  	s30 =	sld [smem:$0x0];
	_ =	sdelay $0x2  }
0xb8: {  	s31 =	sshll.u32 s1, $0xD;
	s1 =	sshrl.u32 s1, $0x2  }
0xb9: {  	s3 =	sand.u32 $0x4000, s31;
	s1 =	sadd.s32 s1, s30  }
0xba: {  	s0 =	sor.u32 s3, s0;
	s1 =	sshll.u32 s1, $0x11  }
0xbb: {  	s0 =	sor.u32 s1, s0  }
0xbc: {  	s0 =	sadd.s32 $0x8F2B, s0  }
0xbd: {  	[sflag:s0] =	ssyncadd.remote.s32 $0x1  }
0xbe: {  	_ =	sfence.sel $0xFFFF  }
0xbf: {  	[dreg:$0x0] =	wrdreg $0xFFFFFFFF;
	(pc) =	sbr.abs _section_cstart, $3  }
0xc0: {  	[dreg:$0x1] =	wrdreg $0xFFFFFFFF  }
0xc1: {  	_ =	task.clear_ibuf [dreg:s7], $0x2FFFF;
	_ =	strace $0x9FFFFFFF  }
0xc2: {  	(tm) =	ssettm $0x7FFFFFFF  }
0xc3: {  	_ =	shalt  }
tec
execute0_lowered:
.L_overlay_start_1:
0x0: {  	(tag) =	ssettag $0x1  }
0x1: {  	s4 =	rddreg [dreg:$0x0]  }
0x2: {  	s5 =	rddreg [dreg:$0x1]  }
0x3: {  	s0 =	rddreg [dreg:$0x2];
	s2 =	simm.s32 $0x0;
	s3 =	srdreg.scid  }
0x4: {  	s1 =	stileid.u32;
	s10 =	simm.s32 $0x0;
	s6 =	sand.u32 $0x1, s3  }
0x5: {  	[smem:$0x7FF] =	sst s2;
	s7 =	sshll.u32 s1, $0xA;
	s8 =	sshll.u32 s6, $0x9  }
0x6: {  	s3 =	sadd.s32 $0x400, s5;
	s6 =	ssub.s32 $0x2, s6;
	s7 =	sor.u32 s8, s7  }
0x7: {  	_ =	strace $0x80000047;
	s9 =	sshrl.u32 s6, $0x1;
	s8 =	sshll.u32 s7, $0x4  }
0x8: {  	s7 =	sshrl.u32 s7, $0x3;
	s6 =	ssub.s32 s6, s9;
	s9 =	simm.s32 $0x200  }
0x9: {  	s5 =	sadd.s32 s8, s5;
	s4 =	sadd.s32 s4, s7;
	s6 =	smax.u32 s6, $0x1  }
0xa: {  	s7 =	simm.s32 $0x2;
	s8 =	simm.s32 $0x1;
	s5 =	sadd.s32 $0x186E00, s5  }
.LBB2_1:
0xb: {  	[tilespmem:s2], [sflag:$0x2] =	stream.linear.gather [hbm4b:s4+s2], $0x200, $0x38;
	[tilespmem:$0x10200] =	vst v63  }
0xc: {  	_ =	swait.ge [sflag:s7], $0x200  }
0xd: {  	[sflag:s7] =	ssyncset.done $0x0  }
0xe: {  	s11 =	simm.s32 $0x20;
	[sflag:s7] =	ssyncadd.s32 $0xFFFFFE00  }
0xf: {  	v0 =	vld [tilespmem:s11+$0xFFFFFFE0];
	_ =	sdelay $0x4  }
0x10: {  	v0 =	vshll.u32 v0, $0x4  }
0x11: {  	(v2sf) =	vpush v0, $0x1  }
0x12: {  	(v2sf) =	vpush v0, $0x0  }
0x13: {  	(v2sf) =	vpush v0, $0x2  }
0x14: {  	(v2sf) =	vpush v0, $0x3;
	_ =	sdelay $0x1  }
0x15: {  	(v2sf) =	vpush v0, $0x4;
	_ =	sdelay $0x1  }
0x16: {  	(v2sf) =	vpush v0, $0x5;
	_ =	sdelay $0x1  }
0x17: {  	(v2sf) =	vpush v0, $0x6;
	_ =	sdelay $0x1  }
0x18: {  	(v2sf) =	vpush v0, $0x7  }
0x19: {  	s13 =	simm.s32 $0x800;
	s12 =	simm.s32 $0x880  }
0x1a: {  	s15 =	simm.s32 $0x200;
	s16 =	simm.s32 $0x280;
	s14 =	simm.s32 $0x780  }
0x1b: {  	s17 =	simm.s32 $0x680;
	s18 =	simm.s32 $0x700;
	s20 =	simm.s32 $0x300  }
0x1c: {  	s22 =	simm.s32 $0x600;
	s25 =	simm.s32 $0x580;
	s19 =	spop (v2sf);
	(v2sf) =	vpush v0, $0x8  }
0x1d: {  	s29 =	simm.s32 $0x380;
	s31 =	simm.s32 $0x400;
	s21 =	spop (v2sf)  }
0x1e: {  	s19 =	sand.u32 $0x1FFFFFF0, s19;
	(v2sf) =	vpush v0, $0x9;
	s21 =	sand.u32 $0x1FFFFFF0, s21;
	s23 =	spop (v2sf)  }
0x1f: {  	s21 =	sadd.s32 s3, s21;
	s23 =	sand.u32 $0x1FFFFFF0, s23;
	s24 =	spop (v2sf)  }
0x20: {  	(v2sf) =	vpush v0, $0xA;
	[tilespmem:s15], [sflag:$0x1] =	stream.linear.gather [hbm4b:s21+s2], $0x80, $0x38;
	[tilespmem:$0x10200] =	vst v63  }
0x21: {  	s24 =	sand.u32 $0x1FFFFFF0, s24;
	s26 =	spop (v2sf);
	s21 =	sadd.s32 s3, s19  }
0x22: {  	(v2sf) =	vpush v0, $0xB;
	[tilespmem:s16], [sflag:$0x1] =	stream.linear.gather [hbm4b:s21+s2], $0x80, $0x38;
	[tilespmem:$0x10200] =	vst v63  }
0x23: {  	s28 =	sadd.s32 s3, s23;
	s19 =	sand.u32 $0x1FFFFFF0, s26;
	s26 =	spop (v2sf)  }
0x24: {  	(v2sf) =	vpush v0, $0xC;
	[tilespmem:s20], [sflag:$0x1] =	stream.linear.gather [hbm4b:s28+s2], $0x80, $0x38;
	[tilespmem:$0x10200] =	vst v63  }
0x25: {  	s30 =	sadd.s32 s3, s24;
	s21 =	sand.u32 $0x1FFFFFF0, s26;
	s24 =	spop (v2sf)  }
0x26: {  	(v2sf) =	vpush v0, $0xD;
	[tilespmem:s29], [sflag:$0x1] =	stream.linear.gather [hbm4b:s30+s2], $0x80, $0x38;
	[tilespmem:$0x10200] =	vst v63  }
0x27: {  	s26 =	sadd.s32 s3, s19;
	s23 =	spop (v2sf);
	s29 =	sand.u32 $0x1FFFFFF0, s24  }
0x28: {  	(v2sf) =	vpush v0, $0xE;
	[tilespmem:s31], [sflag:$0x1] =	stream.linear.gather [hbm4b:s26+s2], $0x80, $0x38;
	[tilespmem:$0x10200] =	vst v63  }
0x29: {  	s28 =	simm.s32 $0x480;
	s30 =	sadd.s32 s3, s21;
	s24 =	sadd.s32 s3, s29  }
0x2a: {  	(v2sf) =	vpush v0, $0xF;
	[tilespmem:s28], [sflag:$0x1] =	stream.linear.gather [hbm4b:s30+s2], $0x80, $0x38;
	[tilespmem:$0x10200] =	vst v63  }
0x2b: {  	s31 =	simm.s32 $0x500;
	s26 =	sand.u32 $0x1FFFFFF0, s23;
	s28 =	spop (v2sf)  }
0x2c: {  	[tilespmem:s31], [sflag:$0x1] =	stream.linear.gather [hbm4b:s24+s2], $0x80, $0x38;
	[tilespmem:$0x10200] =	vst v63  }
0x2d: {  	s29 =	sadd.s32 s3, s26;
	s30 =	sand.u32 $0x1FFFFFF0, s28;
	s31 =	spop (v2sf)  }
0x2e: {  	[tilespmem:s25], [sflag:$0x1] =	stream.linear.gather [hbm4b:s29+s2], $0x80, $0x38;
	[tilespmem:$0x10200] =	vst v63  }
0x2f: {  	s16 =	sadd.s32 s3, s30;
	s20 =	sand.u32 $0x1FFFFFF0, s31;
	s21 =	spop (v2sf)  }
0x30: {  	[tilespmem:s22], [sflag:$0x1] =	stream.linear.gather [hbm4b:s16+s2], $0x80, $0x38;
	[tilespmem:$0x10200] =	vst v63  }
0x31: {  	s23 =	sand.u32 $0x1FFFFFF0, s21;
	s24 =	spop (v2sf);
	s22 =	sadd.s32 s3, s20  }
0x32: {  	[tilespmem:s17], [sflag:$0x1] =	stream.linear.gather [hbm4b:s22+s2], $0x80, $0x38;
	[tilespmem:$0x10200] =	vst v63  }
0x33: {  	s25 =	sadd.s32 s3, s23;
	s26 =	sand.u32 $0x1FFFFFF0, s24;
	s28 =	spop (v2sf)  }
0x34: {  	[tilespmem:s18], [sflag:$0x1] =	stream.linear.gather [hbm4b:s25+s2], $0x80, $0x38;
	[tilespmem:$0x10200] =	vst v63  }
0x35: {  	s29 =	sadd.s32 s3, s26;
	s30 =	sand.u32 $0x1FFFFFF0, s28;
	s31 =	spop (v2sf)  }
0x36: {  	[tilespmem:s14], [sflag:$0x1] =	stream.linear.gather [hbm4b:s29+s2], $0x80, $0x38;
	[tilespmem:$0x10200] =	vst v63  }
0x37: {  	s19 =	sand.u32 $0x1FFFFFF0, s31;
	s20 =	spop (v2sf);
	s18 =	sadd.s32 s3, s30  }
0x38: {  	[tilespmem:s13], [sflag:$0x1] =	stream.linear.gather [hbm4b:s18+s2], $0x80, $0x38;
	[tilespmem:$0x10200] =	vst v63  }
0x39: {  	s21 =	sadd.s32 s3, s19;
	s22 =	sand.u32 $0x1FFFFFF0, s20;
	s23 =	spop (v2sf)  }
0x3a: {  	[tilespmem:s12], [sflag:$0x1] =	stream.linear.gather [hbm4b:s21+s2], $0x80, $0x38;
	[tilespmem:$0x10200] =	vst v63  }
0x3b: {  	s24 =	simm.s32 $0x900;
	s26 =	sand.u32 $0x1FFFFFF0, s23;
	s25 =	sadd.s32 s3, s22  }
0x3c: {  	[tilespmem:s24], [sflag:$0x1] =	stream.linear.gather [hbm4b:s25+s2], $0x80, $0x38;
	[tilespmem:$0x10200] =	vst v63  }
0x3d: {  	s28 =	simm.s32 $0x980;
	s29 =	sadd.s32 s3, s26  }
0x3e: {  	[tilespmem:s28], [sflag:$0x1] =	stream.linear.gather [hbm4b:s29+s2], $0x80, $0x38;
	[tilespmem:$0x10200] =	vst v63  }
0x3f: {  	v61 =	vld [tilespmem:s11+$0xFFFFFFF0];
	_ =	sdelay $0x4  }
0x40: {  	v0 =	vshll.u32 v61, $0x4  }
0x41: {  	(v2sf) =	vpush v0, $0x0  }
0x42: {  	(v2sf) =	vpush v0, $0x1  }
0x43: {  	(v2sf) =	vpush v0, $0x2;
	_ =	sdelay $0x1  }
0x44: {  	(v2sf) =	vpush v0, $0x3;
	_ =	sdelay $0x1  }
0x45: {  	(v2sf) =	vpush v0, $0x4;
	_ =	sdelay $0x1  }
0x46: {  	(v2sf) =	vpush v0, $0x5;
	_ =	sdelay $0x1  }
0x47: {  	(v2sf) =	vpush v0, $0x6  }
0x48: {  	s15 =	simm.s32 $0xF00;
	s16 =	simm.s32 $0xE80  }
0x49: {  	s31 =	simm.s32 $0xA00;
	s17 =	simm.s32 $0xD00;
	s19 =	simm.s32 $0xE00;
	(v2sf) =	vpush v0, $0x7  }
0x4a: {  	s20 =	simm.s32 $0xB80;
	s23 =	simm.s32 $0xA80;
	s22 =	simm.s32 $0xC80  }
0x4b: {  	s14 =	simm.s32 $0xF80;
	s13 =	simm.s32 $0x1000;
	s18 =	simm.s32 $0xD80;
	(v2sf) =	vpush v0, $0x8  }
0x4c: {  	s12 =	simm.s32 $0x1080;
	s21 =	simm.s32 $0xC00;
	s30 =	spop (v2sf)  }
0x4d: {  	s24 =	simm.s32 $0xB00;
	s25 =	sand.u32 $0x1FFFFFF0, s30;
	s28 =	spop (v2sf);
	(v2sf) =	vpush v0, $0x9  }
0x4e: {  	s25 =	sadd.s32 s3, s25;
	s28 =	sand.u32 $0x1FFFFFF0, s28;
	s29 =	spop (v2sf)  }
0x4f: {  	(v2sf) =	vpush v0, $0xA;
	[tilespmem:s31], [sflag:$0x1] =	stream.linear.gather [hbm4b:s25+s2], $0x80, $0x38;
	[tilespmem:$0x10200] =	vst v63  }
0x50: {  	s26 =	sadd.s32 s3, s28;
	s30 =	sand.u32 $0x1FFFFFF0, s29;
	s31 =	spop (v2sf)  }
0x51: {  	(v2sf) =	vpush v0, $0xB;
	[tilespmem:s23], [sflag:$0x1] =	stream.linear.gather [hbm4b:s26+s2], $0x80, $0x38;
	[tilespmem:$0x10200] =	vst v63  }
0x52: {  	s29 =	sadd.s32 s3, s30;
	s30 =	sand.u32 $0x1FFFFFF0, s31;
	s31 =	spop (v2sf)  }
0x53: {  	(v2sf) =	vpush v0, $0xC;
	[tilespmem:s24], [sflag:$0x1] =	stream.linear.gather [hbm4b:s29+s2], $0x80, $0x38;
	[tilespmem:$0x10200] =	vst v63  }
0x54: {  	s25 =	sadd.s32 s3, s30;
	s26 =	sand.u32 $0x1FFFFFF0, s31;
	s28 =	spop (v2sf)  }
0x55: {  	(v2sf) =	vpush v0, $0xD;
	[tilespmem:s20], [sflag:$0x1] =	stream.linear.gather [hbm4b:s25+s2], $0x80, $0x38;
	[tilespmem:$0x10200] =	vst v63  }
0x56: {  	s30 =	sand.u32 $0x1FFFFFF0, s28;
	s31 =	spop (v2sf);
	s29 =	sadd.s32 s3, s26  }
0x57: {  	(v2sf) =	vpush v0, $0xE;
	[tilespmem:s21], [sflag:$0x1] =	stream.linear.gather [hbm4b:s29+s2], $0x80, $0x38;
	[tilespmem:$0x10200] =	vst v63  }
0x58: {  	s23 =	sand.u32 $0x1FFFFFF0, s31;
	s24 =	spop (v2sf);
	s21 =	sadd.s32 s3, s30  }
0x59: {  	(v2sf) =	vpush v0, $0xF;
	[tilespmem:s22], [sflag:$0x1] =	stream.linear.gather [hbm4b:s21+s2], $0x80, $0x38;
	[tilespmem:$0x10200] =	vst v63  }
0x5a: {  	s26 =	sand.u32 $0x1FFFFFF0, s24;
	s28 =	spop (v2sf);
	s25 =	sadd.s32 s3, s23  }
0x5b: {  	[tilespmem:s17], [sflag:$0x1] =	stream.linear.gather [hbm4b:s25+s2], $0x80, $0x38;
	[tilespmem:$0x10200] =	vst v63  }
0x5c: {  	s29 =	sadd.s32 s3, s26;
	s30 =	sand.u32 $0x1FFFFFF0, s28;
	s31 =	spop (v2sf)  }
0x5d: {  	[tilespmem:s18], [sflag:$0x1] =	stream.linear.gather [hbm4b:s29+s2], $0x80, $0x38;
	[tilespmem:$0x10200] =	vst v63  }
0x5e: {  	s18 =	sadd.s32 s3, s30;
	s20 =	sand.u32 $0x1FFFFFF0, s31;
	s21 =	spop (v2sf)  }
0x5f: {  	[tilespmem:s19], [sflag:$0x1] =	stream.linear.gather [hbm4b:s18+s2], $0x80, $0x38;
	[tilespmem:$0x10200] =	vst v63  }
0x60: {  	s22 =	sadd.s32 s3, s20;
	s23 =	sand.u32 $0x1FFFFFF0, s21;
	s24 =	spop (v2sf)  }
0x61: {  	[tilespmem:s16], [sflag:$0x1] =	stream.linear.gather [hbm4b:s22+s2], $0x80, $0x38;
	[tilespmem:$0x10200] =	vst v63  }
0x62: {  	s25 =	sadd.s32 s3, s23;
	s26 =	sand.u32 $0x1FFFFFF0, s24;
	s28 =	spop (v2sf)  }
0x63: {  	[tilespmem:s15], [sflag:$0x1] =	stream.linear.gather [hbm4b:s25+s2], $0x80, $0x38;
	[tilespmem:$0x10200] =	vst v63  }
0x64: {  	s29 =	sadd.s32 s3, s26;
	s30 =	sand.u32 $0x1FFFFFF0, s28;
	s31 =	spop (v2sf)  }
0x65: {  	[tilespmem:s14], [sflag:$0x1] =	stream.linear.gather [hbm4b:s29+s2], $0x80, $0x38;
	[tilespmem:$0x10200] =	vst v63  }
0x66: {  	s16 =	sadd.s32 s3, s30;
	s18 =	sand.u32 $0x1FFFFFF0, s31;
	s19 =	spop (v2sf)  }
0x67: {  	[tilespmem:s13], [sflag:$0x1] =	stream.linear.gather [hbm4b:s16+s2], $0x80, $0x38;
	[tilespmem:$0x10200] =	vst v63  }
0x68: {  	s20 =	sadd.s32 s3, s18;
	s21 =	sand.u32 $0x1FFFFFF0, s19;
	s22 =	spop (v2sf)  }
0x69: {  	[tilespmem:s12], [sflag:$0x1] =	stream.linear.gather [hbm4b:s20+s2], $0x80, $0x38;
	[tilespmem:$0x10200] =	vst v63  }
0x6a: {  	s23 =	simm.s32 $0x1100;
	s24 =	sadd.s32 s3, s21;
	s25 =	sand.u32 $0x1FFFFFF0, s22  }
0x6b: {  	[tilespmem:s23], [sflag:$0x1] =	stream.linear.gather [hbm4b:s24+s2], $0x80, $0x38;
	[tilespmem:$0x10200] =	vst v63  }
0x6c: {  	s26 =	simm.s32 $0x1180;
	s28 =	sadd.s32 s3, s25  }
0x6d: {  	[tilespmem:s26], [sflag:$0x1] =	stream.linear.gather [hbm4b:s28+s2], $0x80, $0x38;
	[tilespmem:$0x10200] =	vst v63  }
0x6e: {  	v62 =	vld [tilespmem:s11+$0x0];
	_ =	sdelay $0x4  }
0x6f: {  	v0 =	vshll.u32 v62, $0x4  }
0x70: {  	(v2sf) =	vpush v0, $0x0  }
0x71: {  	(v2sf) =	vpush v0, $0x1  }
0x72: {  	(v2sf) =	vpush v0, $0x2;
	_ =	sdelay $0x1  }
0x73: {  	(v2sf) =	vpush v0, $0x3;
	_ =	sdelay $0x1  }
0x74: {  	(v2sf) =	vpush v0, $0x4;
	_ =	sdelay $0x1  }
0x75: {  	(v2sf) =	vpush v0, $0x5;
	_ =	sdelay $0x1  }
0x76: {  	(v2sf) =	vpush v0, $0x6  }
0x77: {  	s17 =	simm.s32 $0x1500;
	s18 =	simm.s32 $0x1580  }
0x78: {  	s19 =	simm.s32 $0x1600;
	s15 =	simm.s32 $0x1700;
	s21 =	simm.s32 $0x1400;
	(v2sf) =	vpush v0, $0x7  }
0x79: {  	s22 =	simm.s32 $0x1480;
	s14 =	simm.s32 $0x1780;
	s13 =	simm.s32 $0x1800  }
0x7a: {  	s16 =	simm.s32 $0x1680;
	s12 =	simm.s32 $0x1880;
	s20 =	simm.s32 $0x1380;
	(v2sf) =	vpush v0, $0x8  }
0x7b: {  	s23 =	simm.s32 $0x1280;
	s24 =	simm.s32 $0x1300;
	s29 =	spop (v2sf)  }
0x7c: {  	s26 =	simm.s32 $0x1200;
	s25 =	sand.u32 $0x1FFFFFF0, s29;
	s30 =	spop (v2sf);
	(v2sf) =	vpush v0, $0x9  }
0x7d: {  	s25 =	sadd.s32 s3, s25;
	s28 =	sand.u32 $0x1FFFFFF0, s30;
	s31 =	spop (v2sf)  }
0x7e: {  	(v2sf) =	vpush v0, $0xA;
	[tilespmem:s26], [sflag:$0x1] =	stream.linear.gather [hbm4b:s25+s2], $0x80, $0x38;
	[tilespmem:$0x10200] =	vst v63  }
0x7f: {  	s26 =	sadd.s32 s3, s28;
	s30 =	sand.u32 $0x1FFFFFF0, s31;
	s31 =	spop (v2sf)  }
0x80: {  	(v2sf) =	vpush v0, $0xB;
	[tilespmem:s23], [sflag:$0x1] =	stream.linear.gather [hbm4b:s26+s2], $0x80, $0x38;
	[tilespmem:$0x10200] =	vst v63  }
0x81: {  	s29 =	sadd.s32 s3, s30;
	s30 =	sand.u32 $0x1FFFFFF0, s31;
	s31 =	spop (v2sf)  }
0x82: {  	(v2sf) =	vpush v0, $0xC;
	[tilespmem:s24], [sflag:$0x1] =	stream.linear.gather [hbm4b:s29+s2], $0x80, $0x38;
	[tilespmem:$0x10200] =	vst v63  }
0x83: {  	s25 =	sadd.s32 s3, s30;
	s26 =	sand.u32 $0x1FFFFFF0, s31;
	s28 =	spop (v2sf)  }
0x84: {  	(v2sf) =	vpush v0, $0xD;
	[tilespmem:s20], [sflag:$0x1] =	stream.linear.gather [hbm4b:s25+s2], $0x80, $0x38;
	[tilespmem:$0x10200] =	vst v63  }
0x85: {  	s30 =	sand.u32 $0x1FFFFFF0, s28;
	s31 =	spop (v2sf);
	s29 =	sadd.s32 s3, s26  }
0x86: {  	(v2sf) =	vpush v0, $0xE;
	[tilespmem:s21], [sflag:$0x1] =	stream.linear.gather [hbm4b:s29+s2], $0x80, $0x38;
	[tilespmem:$0x10200] =	vst v63  }
0x87: {  	s23 =	sand.u32 $0x1FFFFFF0, s31;
	s24 =	spop (v2sf);
	s21 =	sadd.s32 s3, s30  }
0x88: {  	(v2sf) =	vpush v0, $0xF;
	[tilespmem:s22], [sflag:$0x1] =	stream.linear.gather [hbm4b:s21+s2], $0x80, $0x38;
	[tilespmem:$0x10200] =	vst v63  }
0x89: {  	s26 =	sand.u32 $0x1FFFFFF0, s24;
	s28 =	spop (v2sf);
	s25 =	sadd.s32 s3, s23  }
0x8a: {  	[tilespmem:s17], [sflag:$0x1] =	stream.linear.gather [hbm4b:s25+s2], $0x80, $0x38;
	[tilespmem:$0x10200] =	vst v63  }
0x8b: {  	s29 =	sadd.s32 s3, s26;
	s30 =	sand.u32 $0x1FFFFFF0, s28;
	s31 =	spop (v2sf)  }
0x8c: {  	[tilespmem:s18], [sflag:$0x1] =	stream.linear.gather [hbm4b:s29+s2], $0x80, $0x38;
	[tilespmem:$0x10200] =	vst v63  }
0x8d: {  	s18 =	sadd.s32 s3, s30;
	s20 =	sand.u32 $0x1FFFFFF0, s31;
	s21 =	spop (v2sf)  }
0x8e: {  	[tilespmem:s19], [sflag:$0x1] =	stream.linear.gather [hbm4b:s18+s2], $0x80, $0x38;
	[tilespmem:$0x10200] =	vst v63  }
0x8f: {  	s22 =	sadd.s32 s3, s20;
	s23 =	sand.u32 $0x1FFFFFF0, s21;
	s24 =	spop (v2sf)  }
0x90: {  	[tilespmem:s16], [sflag:$0x1] =	stream.linear.gather [hbm4b:s22+s2], $0x80, $0x38;
	[tilespmem:$0x10200] =	vst v63  }
0x91: {  	s25 =	sadd.s32 s3, s23;
	s26 =	sand.u32 $0x1FFFFFF0, s24;
	s28 =	spop (v2sf)  }
0x92: {  	[tilespmem:s15], [sflag:$0x1] =	stream.linear.gather [hbm4b:s25+s2], $0x80, $0x38;
	[tilespmem:$0x10200] =	vst v63  }
0x93: {  	s29 =	sadd.s32 s3, s26;
	s30 =	sand.u32 $0x1FFFFFF0, s28;
	s31 =	spop (v2sf)  }
0x94: {  	[tilespmem:s14], [sflag:$0x1] =	stream.linear.gather [hbm4b:s29+s2], $0x80, $0x38;
	[tilespmem:$0x10200] =	vst v63  }
0x95: {  	s16 =	sadd.s32 s3, s30;
	s17 =	sand.u32 $0x1FFFFFF0, s31;
	s18 =	spop (v2sf)  }
0x96: {  	[tilespmem:s13], [sflag:$0x1] =	stream.linear.gather [hbm4b:s16+s2], $0x80, $0x38;
	[tilespmem:$0x10200] =	vst v63  }
0x97: {  	s19 =	sadd.s32 s3, s17;
	s20 =	sand.u32 $0x1FFFFFF0, s18;
	s21 =	spop (v2sf)  }
0x98: {  	[tilespmem:s12], [sflag:$0x1] =	stream.linear.gather [hbm4b:s19+s2], $0x80, $0x38;
	[tilespmem:$0x10200] =	vst v63  }
0x99: {  	s22 =	simm.s32 $0x1900;
	s23 =	sadd.s32 s3, s20;
	s24 =	sand.u32 $0x1FFFFFF0, s21  }
0x9a: {  	[tilespmem:s22], [sflag:$0x1] =	stream.linear.gather [hbm4b:s23+s2], $0x80, $0x38;
	[tilespmem:$0x10200] =	vst v63  }
0x9b: {  	s25 =	simm.s32 $0x1980;
	s26 =	sadd.s32 s3, s24  }
0x9c: {  	[tilespmem:s25], [sflag:$0x1] =	stream.linear.gather [hbm4b:s26+s2], $0x80, $0x38;
	[tilespmem:$0x10200] =	vst v63  }
0x9d: {  	v63 =	vld [tilespmem:s11+$0x10];
	_ =	sdelay $0x4  }
0x9e: {  	v0 =	vshll.u32 v63, $0x4  }
0x9f: {  	(v2sf) =	vpush v0, $0x0  }
0xa0: {  	(v2sf) =	vpush v0, $0x1  }
0xa1: {  	(v2sf) =	vpush v0, $0x2;
	_ =	sdelay $0x1  }
0xa2: {  	(v2sf) =	vpush v0, $0x3  }
0xa3: {  	(v2sf) =	vpush v0, $0x4;
	_ =	sdelay $0x1  }
0xa4: {  	(v2sf) =	vpush v0, $0x5;
	_ =	sdelay $0x1  }
0xa5: {  	(v2sf) =	vpush v0, $0x6;
	_ =	sdelay $0x1  }
0xa6: {  	(v2sf) =	vpush v0, $0x7  }
0xa7: {  	s17 =	simm.s32 $0x1D80;
	s18 =	simm.s32 $0x1E00  }
0xa8: {  	s15 =	simm.s32 $0x2000;
	s20 =	simm.s32 $0x1C00;
	s21 =	simm.s32 $0x1C80;
	(v2sf) =	vpush v0, $0x8  }
0xa9: {  	s14 =	simm.s32 $0x2080;
	s29 =	simm.s32 $0x1A00;
	s13 =	simm.s32 $0x1E80  }
0xaa: {  	s16 =	simm.s32 $0x1D00;
	s12 =	simm.s32 $0x0;
	s28 =	spop (v2sf);
	(v2sf) =	vpush v0, $0x9  }
0xab: {  	s19 =	simm.s32 $0x1B80;
	s24 =	sand.u32 $0x1FFFFFF0, s28;
	s30 =	spop (v2sf)  }
0xac: {  	s22 =	simm.s32 $0x1A80;
	s24 =	sadd.s32 s3, s24;
	s31 =	spop (v2sf)  }
0xad: {  	(v2sf) =	vpush v0, $0xA;
	[tilespmem:s29], [sflag:$0x1] =	stream.linear.gather [hbm4b:s24+s2], $0x80, $0x38;
	[tilespmem:$0x10200] =	vst v63  }
0xae: {  	s23 =	simm.s32 $0x1B00;
	s26 =	sand.u32 $0x1FFFFFF0, s30;
	s28 =	spop (v2sf)  }
0xaf: {  	(v2sf) =	vpush v0, $0xB;
	s25 =	sadd.s32 s3, s26;
	s26 =	sand.u32 $0x1FFFFFF0, s31;
	s31 =	spop (v2sf)  }
0xb0: {  	[tilespmem:s22], [sflag:$0x1] =	stream.linear.gather [hbm4b:s25+s2], $0x80, $0x38;
	[tilespmem:$0x10200] =	vst v63  }
0xb1: {  	(v2sf) =	vpush v0, $0xC;
	s29 =	sadd.s32 s3, s26;
	s30 =	sand.u32 $0x1FFFFFF0, s28;
	s28 =	spop (v2sf)  }
0xb2: {  	[tilespmem:s23], [sflag:$0x1] =	stream.linear.gather [hbm4b:s29+s2], $0x80, $0x38;
	[tilespmem:$0x10200] =	vst v63  }
0xb3: {  	s24 =	sadd.s32 s3, s30;
	s26 =	sand.u32 $0x1FFFFFF0, s31;
	s31 =	spop (v2sf)  }
0xb4: {  	[tilespmem:s19], [sflag:$0x1] =	stream.linear.gather [hbm4b:s24+s2], $0x80, $0x38;
	[tilespmem:$0x10200] =	vst v63  }
0xb5: {  	(v2sf) =	vpush v0, $0xD;
	s30 =	sand.u32 $0x1FFFFFF0, s28;
	s29 =	sadd.s32 s3, s26;
	s24 =	spop (v2sf)  }
0xb6: {  	[tilespmem:s20], [sflag:$0x1] =	stream.linear.gather [hbm4b:s29+s2], $0x80, $0x38;
	[tilespmem:$0x10200] =	vst v63  }
0xb7: {  	s11 =	simm.s32 $0x8000;
	(v2sf) =	vpush v0, $0xE;
	s22 =	sadd.s32 s3, s30;
	s28 =	spop (v2sf)  }
0xb8: {  	[tilespmem:s21], [sflag:$0x1] =	stream.linear.gather [hbm4b:s22+s2], $0x80, $0x38;
	[tilespmem:$0x10200] =	vst v63  }
0xb9: {  	s23 =	sand.u32 $0x1FFFFFF0, s31;
	s26 =	sand.u32 $0x1FFFFFF0, s24;
	s31 =	spop (v2sf);
	(v2sf) =	vpush v0, $0xF  }
0xba: {  	s25 =	sadd.s32 s3, s23;
	s29 =	sadd.s32 s3, s26;
	s30 =	sand.u32 $0x1FFFFFF0, s28  }
0xbb: {  	[tilespmem:s16], [sflag:$0x1] =	stream.linear.gather [hbm4b:s25+s2], $0x80, $0x38;
	[tilespmem:$0x10200] =	vst v63  }
0xbc: {  	s19 =	sadd.s32 s3, s30;
	s20 =	sand.u32 $0x1FFFFFF0, s31;
	s21 =	spop (v2sf)  }
0xbd: {  	[tilespmem:s17], [sflag:$0x1] =	stream.linear.gather [hbm4b:s29+s2], $0x80, $0x38;
	[tilespmem:$0x10200] =	vst v63  }
0xbe: {  	s25 =	simm.s32 $0x1F00;
	s22 =	sadd.s32 s3, s20;
	s24 =	spop (v2sf)  }
0xbf: {  	[tilespmem:s18], [sflag:$0x1] =	stream.linear.gather [hbm4b:s19+s2], $0x80, $0x38;
	[tilespmem:$0x10200] =	vst v63  }
0xc0: {  	s23 =	sand.u32 $0x1FFFFFF0, s21;
	s29 =	simm.s32 $0x1F80;
	s30 =	spop (v2sf)  }
0xc1: {  	[tilespmem:s13], [sflag:$0x1] =	stream.linear.gather [hbm4b:s22+s2], $0x80, $0x38;
	[tilespmem:$0x10200] =	vst v63  }
0xc2: {  	s26 =	sadd.s32 s3, s23;
	s28 =	sand.u32 $0x1FFFFFF0, s24;
	s16 =	sand.u32 $0x1FFFFFF0, s30  }
0xc3: {  	[tilespmem:s25], [sflag:$0x1] =	stream.linear.gather [hbm4b:s26+s2], $0x80, $0x38;
	[tilespmem:$0x10200] =	vst v63  }
0xc4: {  	s17 =	sadd.s32 s3, s28;
	s31 =	spop (v2sf);
	s18 =	sadd.s32 s3, s16  }
0xc5: {  	[tilespmem:s29], [sflag:$0x1] =	stream.linear.gather [hbm4b:s17+s2], $0x80, $0x38;
	[tilespmem:$0x10200] =	vst v63  }
0xc6: {  	s16 =	sand.u32 $0x1FFFFFF0, s31;
	s13 =	simm.s32 $0x60;
	s17 =	spop (v2sf)  }
.LBB2_2:
0xc7: {  	[tilespmem:s15], [sflag:$0x1] =	stream.linear.gather [hbm4b:s18+s2], $0x80, $0x38;
	[tilespmem:$0x10200] =	vst v63  }
0xc8: {  	s15 =	sadd.s32 s3, s16;
	s16 =	sand.u32 $0x1FFFFFF0, s17;
	s17 =	spop (v2sf)  }
0xc9: {  	[tilespmem:s14], [sflag:$0x1] =	stream.linear.gather [hbm4b:s15+s2], $0x80, $0x38;
	[tilespmem:$0x10200] =	vst v63  }
0xca: {  	s14 =	sadd.s32 $0x2100, s12;
	s15 =	sadd.s32 s3, s16;
	s16 =	sand.u32 $0x1FFFFFF0, s17  }
0xcb: {  	[tilespmem:s14], [sflag:$0x1] =	stream.linear.gather [hbm4b:s15+s2], $0x80, $0x38;
	[tilespmem:$0x10200] =	vst v63  }
0xcc: {  	p0 =	sne.s32 s11, $0x38000;
	s12 =	sadd.s32 $0x2180, s12;
	s14 =	sadd.s32 s3, s16  }
0xcd: {  	[tilespmem:s12], [sflag:$0x1] =	stream.linear.gather [hbm4b:s14+s2], $0x80, $0x38;
	[tilespmem:$0x10200] =	vst v63  }
0xce: {  	s12 =	smov.u32 s11;
	s11 =	sadd.s32 $0x8000, s11;
	v0 =	vld [tilespmem:s13+$0xFFFFFFE0];
	_ =	sdelay $0x4  }
0xcf: {  	v0 =	vshll.u32 v0, $0x4  }
0xd0: {  	(v2sf) =	vpush v0, $0x1  }
0xd1: {  	(v2sf) =	vpush v0, $0x0  }
0xd2: {  	(v2sf) =	vpush v0, $0x2  }
0xd3: {  	(v2sf) =	vpush v0, $0x3  }
0xd4: {  	(v2sf) =	vpush v0, $0x4;
	_ =	sdelay $0x1  }
0xd5: {  	(v2sf) =	vpush v0, $0x5;
	_ =	sdelay $0x3  }
0xd6: {  	(v2sf) =	vpush v0, $0x6;
	_ =	sdelay $0x1  }
0xd7: {  	s12 =	sshra.s32 s12, $0x2  }
0xd8: {  	s15 =	sadd.s32 $0x800, s12;
	s14 =	sadd.s32 $0x880, s12  }
0xd9: {  	s20 =	sadd.s32 $0x200, s12;
	s21 =	sadd.s32 $0x280, s12;
	s16 =	sadd.s32 $0x780, s12;
	(v2sf) =	vpush v0, $0x7  }
0xda: {  	s18 =	sadd.s32 $0x680, s12;
	s17 =	sadd.s32 $0x700, s12;
	s19 =	spop (v2sf)  }
0xdb: {  	s23 =	sadd.s32 $0x300, s12;
	s22 =	sand.u32 $0x1FFFFFF0, s19;
	s19 =	spop (v2sf);
	(v2sf) =	vpush v0, $0x8  }
0xdc: {  	s24 =	sand.u32 $0x1FFFFFF0, s19;
	s19 =	sadd.s32 $0x600, s12;
	s25 =	spop (v2sf)  }
0xdd: {  	s24 =	sadd.s32 s3, s24;
	s25 =	sand.u32 $0x1FFFFFF0, s25;
	s26 =	spop (v2sf);
	(v2sf) =	vpush v0, $0x9  }
0xde: {  	s28 =	sadd.s32 $0x580, s12;
	s26 =	sand.u32 $0x1FFFFFF0, s26;
	s29 =	spop (v2sf)  }
0xdf: {  	[tilespmem:s20], [sflag:$0x1] =	stream.linear.gather [hbm4b:s24+s2], $0x80, $0x38;
	(v2sf) =	vpush v0, $0xA;
	[tilespmem:$0x10200] =	vst v63  }
0xe0: {  	s20 =	sadd.s32 s3, s22;
	s22 =	sand.u32 $0x1FFFFFF0, s29;
	s24 =	spop (v2sf)  }
0xe1: {  	[tilespmem:s21], [sflag:$0x1] =	stream.linear.gather [hbm4b:s20+s2], $0x80, $0x38;
	(v2sf) =	vpush v0, $0xB;
	[tilespmem:$0x10200] =	vst v63  }
0xe2: {  	s20 =	sadd.s32 s3, s25;
	s21 =	sadd.s32 $0x380, s12;
	s24 =	sand.u32 $0x1FFFFFF0, s24  }
0xe3: {  	[tilespmem:s23], [sflag:$0x1] =	stream.linear.gather [hbm4b:s20+s2], $0x80, $0x38;
	(v2sf) =	vpush v0, $0xC;
	[tilespmem:$0x10200] =	vst v63  }
0xe4: {  	s20 =	sadd.s32 s3, s26;
	s23 =	sadd.s32 $0x400, s12;
	s25 =	spop (v2sf)  }
0xe5: {  	[tilespmem:s21], [sflag:$0x1] =	stream.linear.gather [hbm4b:s20+s2], $0x80, $0x38;
	(v2sf) =	vpush v0, $0xD;
	[tilespmem:$0x10200] =	vst v63  }
0xe6: {  	s20 =	sadd.s32 s3, s22;
	s21 =	sadd.s32 $0x480, s12;
	s22 =	sand.u32 $0x1FFFFFF0, s25  }
0xe7: {  	[tilespmem:s23], [sflag:$0x1] =	stream.linear.gather [hbm4b:s20+s2], $0x80, $0x38;
	(v2sf) =	vpush v0, $0xE;
	[tilespmem:$0x10200] =	vst v63  }
0xe8: {  	s20 =	sadd.s32 s3, s24;
	s23 =	sadd.s32 $0x500, s12;
	s24 =	spop (v2sf)  }
0xe9: {  	[tilespmem:s21], [sflag:$0x1] =	stream.linear.gather [hbm4b:s20+s2], $0x80, $0x38;
	(v2sf) =	vpush v0, $0xF;
	[tilespmem:$0x10200] =	vst v63  }
0xea: {  	s20 =	sadd.s32 s3, s22;
	s21 =	sand.u32 $0x1FFFFFF0, s24;
	s22 =	spop (v2sf)  }
0xeb: {  	[tilespmem:s23], [sflag:$0x1] =	stream.linear.gather [hbm4b:s20+s2], $0x80, $0x38;
	[tilespmem:$0x10200] =	vst v63  }
0xec: {  	s20 =	sadd.s32 s3, s21;
	s21 =	sand.u32 $0x1FFFFFF0, s22;
	s22 =	spop (v2sf)  }
0xed: {  	[tilespmem:s28], [sflag:$0x1] =	stream.linear.gather [hbm4b:s20+s2], $0x80, $0x38;
	[tilespmem:$0x10200] =	vst v63  }
0xee: {  	s20 =	sadd.s32 s3, s21;
	s21 =	sand.u32 $0x1FFFFFF0, s22;
	s22 =	spop (v2sf)  }
0xef: {  	[tilespmem:s19], [sflag:$0x1] =	stream.linear.gather [hbm4b:s20+s2], $0x80, $0x38;
	[tilespmem:$0x10200] =	vst v63  }
0xf0: {  	s19 =	sadd.s32 s3, s21;
	s20 =	sand.u32 $0x1FFFFFF0, s22;
	s21 =	spop (v2sf)  }
0xf1: {  	[tilespmem:s18], [sflag:$0x1] =	stream.linear.gather [hbm4b:s19+s2], $0x80, $0x38;
	[tilespmem:$0x10200] =	vst v63  }
0xf2: {  	s18 =	sadd.s32 s3, s20;
	s19 =	sand.u32 $0x1FFFFFF0, s21;
	s20 =	spop (v2sf)  }
0xf3: {  	[tilespmem:s17], [sflag:$0x1] =	stream.linear.gather [hbm4b:s18+s2], $0x80, $0x38;
	[tilespmem:$0x10200] =	vst v63  }
0xf4: {  	s17 =	sadd.s32 s3, s19;
	s18 =	sand.u32 $0x1FFFFFF0, s20;
	s19 =	spop (v2sf)  }
0xf5: {  	[tilespmem:s16], [sflag:$0x1] =	stream.linear.gather [hbm4b:s17+s2], $0x80, $0x38;
	[tilespmem:$0x10200] =	vst v63  }
0xf6: {  	s16 =	sadd.s32 s3, s18;
	s17 =	sand.u32 $0x1FFFFFF0, s19;
	s18 =	spop (v2sf)  }
0xf7: {  	[tilespmem:s15], [sflag:$0x1] =	stream.linear.gather [hbm4b:s16+s2], $0x80, $0x38;
	[tilespmem:$0x10200] =	vst v63  }
0xf8: {  	s15 =	sadd.s32 s3, s17;
	s16 =	sand.u32 $0x1FFFFFF0, s18;
	s17 =	spop (v2sf)  }
0xf9: {  	[tilespmem:s14], [sflag:$0x1] =	stream.linear.gather [hbm4b:s15+s2], $0x80, $0x38;
	[tilespmem:$0x10200] =	vst v63  }
0xfa: {  	s14 =	sadd.s32 $0x900, s12;
	s15 =	sadd.s32 s3, s16;
	s16 =	sand.u32 $0x1FFFFFF0, s17  }
0xfb: {  	[tilespmem:s14], [sflag:$0x1] =	stream.linear.gather [hbm4b:s15+s2], $0x80, $0x38;
	[tilespmem:$0x10200] =	vst v63  }
0xfc: {  	s14 =	sadd.s32 $0x980, s12;
	s15 =	sadd.s32 s3, s16  }
0xfd: {  	[tilespmem:s14], [sflag:$0x1] =	stream.linear.gather [hbm4b:s15+s2], $0x80, $0x38;
	[tilespmem:$0x10200] =	vst v63  }
0xfe: {  	v0 =	vld [tilespmem:s13+$0xFFFFFFF0];
	_ =	sdelay $0x4  }
0xff: {  	v0 =	vshll.u32 v0, $0x4  }
0x100: {  	(v2sf) =	vpush v0, $0x0  }
0x101: {  	(v2sf) =	vpush v0, $0x1  }
0x102: {  	(v2sf) =	vpush v0, $0x2;
	_ =	sdelay $0x1  }
0x103: {  	(v2sf) =	vpush v0, $0x3;
	_ =	sdelay $0x1  }
0x104: {  	(v2sf) =	vpush v0, $0x4;
	_ =	sdelay $0x1  }
0x105: {  	(v2sf) =	vpush v0, $0x5;
	_ =	sdelay $0x1  }
0x106: {  	(v2sf) =	vpush v0, $0x6  }
0x107: {  	s15 =	sadd.s32 $0x1000, s12;
	s14 =	sadd.s32 $0x1080, s12  }
0x108: {  	s18 =	sadd.s32 $0xE80, s12;
	s17 =	sadd.s32 $0xF00, s12;
	s16 =	sadd.s32 $0xF80, s12;
	(v2sf) =	vpush v0, $0x7  }
0x109: {  	s21 =	sadd.s32 $0xD00, s12;
	s20 =	sadd.s32 $0xD80, s12;
	s19 =	sadd.s32 $0xE00, s12  }
0x10a: {  	s24 =	sadd.s32 $0xC80, s12;
	s23 =	sadd.s32 $0xC00, s12;
	s22 =	sadd.s32 $0xB80, s12;
	(v2sf) =	vpush v0, $0x8  }
0x10b: {  	s26 =	sadd.s32 $0xB00, s12;
	s25 =	sadd.s32 $0xA80, s12;
	s28 =	spop (v2sf)  }
0x10c: {  	s29 =	sadd.s32 $0xA00, s12;
	s28 =	sand.u32 $0x1FFFFFF0, s28;
	s30 =	spop (v2sf);
	(v2sf) =	vpush v0, $0x9  }
0x10d: {  	s28 =	sadd.s32 s3, s28;
	s30 =	sand.u32 $0x1FFFFFF0, s30;
	s31 =	spop (v2sf)  }
0x10e: {  	[tilespmem:s29], [sflag:$0x1] =	stream.linear.gather [hbm4b:s28+s2], $0x80, $0x38;
	(v2sf) =	vpush v0, $0xA;
	[tilespmem:$0x10200] =	vst v63  }
0x10f: {  	s28 =	sadd.s32 s3, s30;
	s29 =	sand.u32 $0x1FFFFFF0, s31;
	s30 =	spop (v2sf)  }
0x110: {  	[tilespmem:s25], [sflag:$0x1] =	stream.linear.gather [hbm4b:s28+s2], $0x80, $0x38;
	(v2sf) =	vpush v0, $0xB;
	[tilespmem:$0x10200] =	vst v63  }
0x111: {  	s25 =	sadd.s32 s3, s29;
	s28 =	sand.u32 $0x1FFFFFF0, s30;
	s29 =	spop (v2sf)  }
0x112: {  	[tilespmem:s26], [sflag:$0x1] =	stream.linear.gather [hbm4b:s25+s2], $0x80, $0x38;
	(v2sf) =	vpush v0, $0xC;
	[tilespmem:$0x10200] =	vst v63  }
0x113: {  	s25 =	sadd.s32 s3, s28;
	s26 =	sand.u32 $0x1FFFFFF0, s29;
	s28 =	spop (v2sf)  }
0x114: {  	[tilespmem:s22], [sflag:$0x1] =	stream.linear.gather [hbm4b:s25+s2], $0x80, $0x38;
	(v2sf) =	vpush v0, $0xD;
	[tilespmem:$0x10200] =	vst v63  }
0x115: {  	s22 =	sadd.s32 s3, s26;
	s25 =	sand.u32 $0x1FFFFFF0, s28;
	s26 =	spop (v2sf)  }
0x116: {  	[tilespmem:s23], [sflag:$0x1] =	stream.linear.gather [hbm4b:s22+s2], $0x80, $0x38;
	(v2sf) =	vpush v0, $0xE;
	[tilespmem:$0x10200] =	vst v63  }
0x117: {  	s22 =	sadd.s32 s3, s25;
	s23 =	sand.u32 $0x1FFFFFF0, s26;
	s25 =	spop (v2sf)  }
0x118: {  	[tilespmem:s24], [sflag:$0x1] =	stream.linear.gather [hbm4b:s22+s2], $0x80, $0x38;
	(v2sf) =	vpush v0, $0xF;
	[tilespmem:$0x10200] =	vst v63  }
0x119: {  	s22 =	sadd.s32 s3, s23;
	s23 =	sand.u32 $0x1FFFFFF0, s25;
	s24 =	spop (v2sf)  }
0x11a: {  	[tilespmem:s21], [sflag:$0x1] =	stream.linear.gather [hbm4b:s22+s2], $0x80, $0x38;
	[tilespmem:$0x10200] =	vst v63  }
0x11b: {  	s21 =	sadd.s32 s3, s23;
	s22 =	sand.u32 $0x1FFFFFF0, s24;
	s23 =	spop (v2sf)  }
0x11c: {  	[tilespmem:s20], [sflag:$0x1] =	stream.linear.gather [hbm4b:s21+s2], $0x80, $0x38;
	[tilespmem:$0x10200] =	vst v63  }
0x11d: {  	s20 =	sadd.s32 s3, s22;
	s21 =	sand.u32 $0x1FFFFFF0, s23;
	s22 =	spop (v2sf)  }
0x11e: {  	[tilespmem:s19], [sflag:$0x1] =	stream.linear.gather [hbm4b:s20+s2], $0x80, $0x38;
	[tilespmem:$0x10200] =	vst v63  }
0x11f: {  	s19 =	sadd.s32 s3, s21;
	s20 =	sand.u32 $0x1FFFFFF0, s22;
	s21 =	spop (v2sf)  }
0x120: {  	[tilespmem:s18], [sflag:$0x1] =	stream.linear.gather [hbm4b:s19+s2], $0x80, $0x38;
	[tilespmem:$0x10200] =	vst v63  }
0x121: {  	s18 =	sadd.s32 s3, s20;
	s19 =	sand.u32 $0x1FFFFFF0, s21;
	s20 =	spop (v2sf)  }
0x122: {  	[tilespmem:s17], [sflag:$0x1] =	stream.linear.gather [hbm4b:s18+s2], $0x80, $0x38;
	[tilespmem:$0x10200] =	vst v63  }
0x123: {  	s17 =	sadd.s32 s3, s19;
	s18 =	sand.u32 $0x1FFFFFF0, s20;
	s19 =	spop (v2sf)  }
0x124: {  	[tilespmem:s16], [sflag:$0x1] =	stream.linear.gather [hbm4b:s17+s2], $0x80, $0x38;
	[tilespmem:$0x10200] =	vst v63  }
0x125: {  	s16 =	sadd.s32 s3, s18;
	s17 =	sand.u32 $0x1FFFFFF0, s19;
	s18 =	spop (v2sf)  }
0x126: {  	[tilespmem:s15], [sflag:$0x1] =	stream.linear.gather [hbm4b:s16+s2], $0x80, $0x38;
	[tilespmem:$0x10200] =	vst v63  }
0x127: {  	s15 =	sadd.s32 s3, s17;
	s16 =	sand.u32 $0x1FFFFFF0, s18;
	s17 =	spop (v2sf)  }
0x128: {  	[tilespmem:s14], [sflag:$0x1] =	stream.linear.gather [hbm4b:s15+s2], $0x80, $0x38;
	[tilespmem:$0x10200] =	vst v63  }
0x129: {  	s14 =	sadd.s32 $0x1100, s12;
	s15 =	sadd.s32 s3, s16;
	s16 =	sand.u32 $0x1FFFFFF0, s17  }
0x12a: {  	[tilespmem:s14], [sflag:$0x1] =	stream.linear.gather [hbm4b:s15+s2], $0x80, $0x38;
	[tilespmem:$0x10200] =	vst v63  }
0x12b: {  	s14 =	sadd.s32 $0x1180, s12;
	s15 =	sadd.s32 s3, s16  }
0x12c: {  	[tilespmem:s14], [sflag:$0x1] =	stream.linear.gather [hbm4b:s15+s2], $0x80, $0x38;
	[tilespmem:$0x10200] =	vst v63  }
0x12d: {  	v0 =	vld [tilespmem:s13+$0x0];
	_ =	sdelay $0x4  }
0x12e: {  	v0 =	vshll.u32 v0, $0x4  }
0x12f: {  	(v2sf) =	vpush v0, $0x0  }
0x130: {  	(v2sf) =	vpush v0, $0x1  }
0x131: {  	(v2sf) =	vpush v0, $0x2;
	_ =	sdelay $0x1  }
0x132: {  	(v2sf) =	vpush v0, $0x3;
	_ =	sdelay $0x1  }
0x133: {  	(v2sf) =	vpush v0, $0x4;
	_ =	sdelay $0x1  }
0x134: {  	(v2sf) =	vpush v0, $0x5;
	_ =	sdelay $0x1  }
0x135: {  	(v2sf) =	vpush v0, $0x6  }
0x136: {  	s15 =	sadd.s32 $0x1800, s12;
	s14 =	sadd.s32 $0x1880, s12  }
0x137: {  	s18 =	sadd.s32 $0x1680, s12;
	s17 =	sadd.s32 $0x1700, s12;
	s16 =	sadd.s32 $0x1780, s12;
	(v2sf) =	vpush v0, $0x7  }
0x138: {  	s21 =	sadd.s32 $0x1500, s12;
	s20 =	sadd.s32 $0x1580, s12;
	s19 =	sadd.s32 $0x1600, s12  }
0x139: {  	s24 =	sadd.s32 $0x1480, s12;
	s23 =	sadd.s32 $0x1400, s12;
	s22 =	sadd.s32 $0x1380, s12;
	(v2sf) =	vpush v0, $0x8  }
0x13a: {  	s26 =	sadd.s32 $0x1300, s12;
	s25 =	sadd.s32 $0x1280, s12;
	s28 =	spop (v2sf)  }
0x13b: {  	s29 =	sadd.s32 $0x1200, s12;
	s28 =	sand.u32 $0x1FFFFFF0, s28;
	s30 =	spop (v2sf);
	(v2sf) =	vpush v0, $0x9  }
0x13c: {  	s28 =	sadd.s32 s3, s28;
	s30 =	sand.u32 $0x1FFFFFF0, s30;
	s31 =	spop (v2sf)  }
0x13d: {  	[tilespmem:s29], [sflag:$0x1] =	stream.linear.gather [hbm4b:s28+s2], $0x80, $0x38;
	(v2sf) =	vpush v0, $0xA;
	[tilespmem:$0x10200] =	vst v63  }
0x13e: {  	s28 =	sadd.s32 s3, s30;
	s29 =	sand.u32 $0x1FFFFFF0, s31;
	s30 =	spop (v2sf)  }
0x13f: {  	[tilespmem:s25], [sflag:$0x1] =	stream.linear.gather [hbm4b:s28+s2], $0x80, $0x38;
	(v2sf) =	vpush v0, $0xB;
	[tilespmem:$0x10200] =	vst v63  }
0x140: {  	s25 =	sadd.s32 s3, s29;
	s28 =	sand.u32 $0x1FFFFFF0, s30;
	s29 =	spop (v2sf)  }
0x141: {  	[tilespmem:s26], [sflag:$0x1] =	stream.linear.gather [hbm4b:s25+s2], $0x80, $0x38;
	(v2sf) =	vpush v0, $0xC;
	[tilespmem:$0x10200] =	vst v63  }
0x142: {  	s25 =	sadd.s32 s3, s28;
	s26 =	sand.u32 $0x1FFFFFF0, s29;
	s28 =	spop (v2sf)  }
0x143: {  	[tilespmem:s22], [sflag:$0x1] =	stream.linear.gather [hbm4b:s25+s2], $0x80, $0x38;
	(v2sf) =	vpush v0, $0xD;
	[tilespmem:$0x10200] =	vst v63  }
0x144: {  	s22 =	sadd.s32 s3, s26;
	s25 =	sand.u32 $0x1FFFFFF0, s28;
	s26 =	spop (v2sf)  }
0x145: {  	[tilespmem:s23], [sflag:$0x1] =	stream.linear.gather [hbm4b:s22+s2], $0x80, $0x38;
	(v2sf) =	vpush v0, $0xE;
	[tilespmem:$0x10200] =	vst v63  }
0x146: {  	s22 =	sadd.s32 s3, s25;
	s23 =	sand.u32 $0x1FFFFFF0, s26;
	s25 =	spop (v2sf)  }
0x147: {  	[tilespmem:s24], [sflag:$0x1] =	stream.linear.gather [hbm4b:s22+s2], $0x80, $0x38;
	(v2sf) =	vpush v0, $0xF;
	[tilespmem:$0x10200] =	vst v63  }
0x148: {  	s22 =	sadd.s32 s3, s23;
	s23 =	sand.u32 $0x1FFFFFF0, s25;
	s24 =	spop (v2sf)  }
0x149: {  	[tilespmem:s21], [sflag:$0x1] =	stream.linear.gather [hbm4b:s22+s2], $0x80, $0x38;
	[tilespmem:$0x10200] =	vst v63  }
0x14a: {  	s21 =	sadd.s32 s3, s23;
	s22 =	sand.u32 $0x1FFFFFF0, s24;
	s23 =	spop (v2sf)  }
0x14b: {  	[tilespmem:s20], [sflag:$0x1] =	stream.linear.gather [hbm4b:s21+s2], $0x80, $0x38;
	[tilespmem:$0x10200] =	vst v63  }
0x14c: {  	s20 =	sadd.s32 s3, s22;
	s21 =	sand.u32 $0x1FFFFFF0, s23;
	s22 =	spop (v2sf)  }
0x14d: {  	[tilespmem:s19], [sflag:$0x1] =	stream.linear.gather [hbm4b:s20+s2], $0x80, $0x38;
	[tilespmem:$0x10200] =	vst v63  }
0x14e: {  	s19 =	sadd.s32 s3, s21;
	s20 =	sand.u32 $0x1FFFFFF0, s22;
	s21 =	spop (v2sf)  }
0x14f: {  	[tilespmem:s18], [sflag:$0x1] =	stream.linear.gather [hbm4b:s19+s2], $0x80, $0x38;
	[tilespmem:$0x10200] =	vst v63  }
0x150: {  	s18 =	sadd.s32 s3, s20;
	s19 =	sand.u32 $0x1FFFFFF0, s21;
	s20 =	spop (v2sf)  }
0x151: {  	[tilespmem:s17], [sflag:$0x1] =	stream.linear.gather [hbm4b:s18+s2], $0x80, $0x38;
	[tilespmem:$0x10200] =	vst v63  }
0x152: {  	s17 =	sadd.s32 s3, s19;
	s18 =	sand.u32 $0x1FFFFFF0, s20;
	s19 =	spop (v2sf)  }
0x153: {  	[tilespmem:s16], [sflag:$0x1] =	stream.linear.gather [hbm4b:s17+s2], $0x80, $0x38;
	[tilespmem:$0x10200] =	vst v63  }
0x154: {  	s16 =	sadd.s32 s3, s18;
	s17 =	sand.u32 $0x1FFFFFF0, s19;
	s18 =	spop (v2sf)  }
0x155: {  	[tilespmem:s15], [sflag:$0x1] =	stream.linear.gather [hbm4b:s16+s2], $0x80, $0x38;
	[tilespmem:$0x10200] =	vst v63  }
0x156: {  	s15 =	sadd.s32 s3, s17;
	s16 =	sand.u32 $0x1FFFFFF0, s18;
	s17 =	spop (v2sf)  }
0x157: {  	[tilespmem:s14], [sflag:$0x1] =	stream.linear.gather [hbm4b:s15+s2], $0x80, $0x38;
	[tilespmem:$0x10200] =	vst v63  }
0x158: {  	s14 =	sadd.s32 $0x1900, s12;
	s15 =	sadd.s32 s3, s16;
	s16 =	sand.u32 $0x1FFFFFF0, s17  }
0x159: {  	[tilespmem:s14], [sflag:$0x1] =	stream.linear.gather [hbm4b:s15+s2], $0x80, $0x38;
	[tilespmem:$0x10200] =	vst v63  }
0x15a: {  	s14 =	sadd.s32 $0x1980, s12;
	s15 =	sadd.s32 s3, s16  }
0x15b: {  	[tilespmem:s14], [sflag:$0x1] =	stream.linear.gather [hbm4b:s15+s2], $0x80, $0x38;
	[tilespmem:$0x10200] =	vst v63  }
0x15c: {  	v0 =	vld [tilespmem:s13+$0x10];
	_ =	sdelay $0x4  }
0x15d: {  	v0 =	vshll.u32 v0, $0x4  }
0x15e: {  	(v2sf) =	vpush v0, $0x0  }
0x15f: {  	(v2sf) =	vpush v0, $0x1  }
0x160: {  	(v2sf) =	vpush v0, $0x2;
	_ =	sdelay $0x1  }
0x161: {  	(v2sf) =	vpush v0, $0x3;
	_ =	sdelay $0x1  }
0x162: {  	(v2sf) =	vpush v0, $0x4;
	_ =	sdelay $0x1  }
0x163: {  	(v2sf) =	vpush v0, $0x5;
	_ =	sdelay $0x1  }
0x164: {  	(v2sf) =	vpush v0, $0x6  }
0x165: {  	s15 =	sadd.s32 $0x2000, s12;
	s14 =	sadd.s32 $0x2080, s12;
	s13 =	sadd.s32 $0x40, s13  }
0x166: {  	s18 =	sadd.s32 $0x1E80, s12;
	s17 =	sadd.s32 $0x1F00, s12;
	s16 =	sadd.s32 $0x1F80, s12;
	(v2sf) =	vpush v0, $0x7  }
0x167: {  	s21 =	sadd.s32 $0x1D00, s12;
	s20 =	sadd.s32 $0x1D80, s12;
	s19 =	sadd.s32 $0x1E00, s12  }
0x168: {  	s24 =	sadd.s32 $0x1C80, s12;
	s23 =	sadd.s32 $0x1C00, s12;
	s22 =	sadd.s32 $0x1B80, s12;
	(v2sf) =	vpush v0, $0x8  }
0x169: {  	s26 =	sadd.s32 $0x1B00, s12;
	s25 =	sadd.s32 $0x1A80, s12;
	s28 =	spop (v2sf)  }
0x16a: {  	s29 =	sadd.s32 $0x1A00, s12;
	s28 =	sand.u32 $0x1FFFFFF0, s28;
	s30 =	spop (v2sf);
	(v2sf) =	vpush v0, $0x9  }
0x16b: {  	s28 =	sadd.s32 s3, s28;
	s30 =	sand.u32 $0x1FFFFFF0, s30;
	s31 =	spop (v2sf)  }
0x16c: {  	[tilespmem:s29], [sflag:$0x1] =	stream.linear.gather [hbm4b:s28+s2], $0x80, $0x38;
	(v2sf) =	vpush v0, $0xA;
	[tilespmem:$0x10200] =	vst v63  }
0x16d: {  	s28 =	sadd.s32 s3, s30;
	s29 =	sand.u32 $0x1FFFFFF0, s31;
	s30 =	spop (v2sf)  }
0x16e: {  	[tilespmem:s25], [sflag:$0x1] =	stream.linear.gather [hbm4b:s28+s2], $0x80, $0x38;
	(v2sf) =	vpush v0, $0xB;
	[tilespmem:$0x10200] =	vst v63  }
0x16f: {  	s25 =	sadd.s32 s3, s29;
	s28 =	sand.u32 $0x1FFFFFF0, s30;
	s29 =	spop (v2sf)  }
0x170: {  	[tilespmem:s26], [sflag:$0x1] =	stream.linear.gather [hbm4b:s25+s2], $0x80, $0x38;
	(v2sf) =	vpush v0, $0xC;
	[tilespmem:$0x10200] =	vst v63  }
0x171: {  	s25 =	sadd.s32 s3, s28;
	s26 =	sand.u32 $0x1FFFFFF0, s29;
	s28 =	spop (v2sf)  }
0x172: {  	[tilespmem:s22], [sflag:$0x1] =	stream.linear.gather [hbm4b:s25+s2], $0x80, $0x38;
	(v2sf) =	vpush v0, $0xD;
	[tilespmem:$0x10200] =	vst v63  }
0x173: {  	s22 =	sadd.s32 s3, s26;
	s25 =	sand.u32 $0x1FFFFFF0, s28;
	s26 =	spop (v2sf)  }
0x174: {  	[tilespmem:s23], [sflag:$0x1] =	stream.linear.gather [hbm4b:s22+s2], $0x80, $0x38;
	(v2sf) =	vpush v0, $0xE;
	[tilespmem:$0x10200] =	vst v63  }
0x175: {  	s22 =	sadd.s32 s3, s25;
	s23 =	sand.u32 $0x1FFFFFF0, s26;
	s25 =	spop (v2sf)  }
0x176: {  	[tilespmem:s24], [sflag:$0x1] =	stream.linear.gather [hbm4b:s22+s2], $0x80, $0x38;
	(v2sf) =	vpush v0, $0xF;
	[tilespmem:$0x10200] =	vst v63  }
0x177: {  	s22 =	sadd.s32 s3, s23;
	s23 =	sand.u32 $0x1FFFFFF0, s25;
	s24 =	spop (v2sf)  }
0x178: {  	[tilespmem:s21], [sflag:$0x1] =	stream.linear.gather [hbm4b:s22+s2], $0x80, $0x38;
	[tilespmem:$0x10200] =	vst v63  }
0x179: {  	s21 =	sadd.s32 s3, s23;
	s22 =	sand.u32 $0x1FFFFFF0, s24;
	s23 =	spop (v2sf)  }
0x17a: {  	[tilespmem:s20], [sflag:$0x1] =	stream.linear.gather [hbm4b:s21+s2], $0x80, $0x38;
	[tilespmem:$0x10200] =	vst v63  }
0x17b: {  	s20 =	sadd.s32 s3, s22;
	s21 =	sand.u32 $0x1FFFFFF0, s23;
	s22 =	spop (v2sf)  }
0x17c: {  	[tilespmem:s19], [sflag:$0x1] =	stream.linear.gather [hbm4b:s20+s2], $0x80, $0x38;
	[tilespmem:$0x10200] =	vst v63  }
0x17d: {  	s19 =	sadd.s32 s3, s21;
	s20 =	sand.u32 $0x1FFFFFF0, s22;
	s21 =	spop (v2sf)  }
0x17e: {  	[tilespmem:s18], [sflag:$0x1] =	stream.linear.gather [hbm4b:s19+s2], $0x80, $0x38;
	[tilespmem:$0x10200] =	vst v63  }
0x17f: {  	s18 =	sadd.s32 s3, s20  }
.Ltmp0:
0x180: {  	s19 =	sand.u32 $0x1FFFFFF0, s21;
	s20 =	spop (v2sf);
	(pc) =	sbr.rel @p0 .LBB2_2-.Ltmp0, $4  }
0x181: {  	[tilespmem:s17], [sflag:$0x1] =	stream.linear.gather [hbm4b:s18+s2], $0x80, $0x38;
	[tilespmem:$0x10200] =	vst v63  }
0x182: {  	s17 =	sadd.s32 s3, s19;
	s18 =	sand.u32 $0x1FFFFFF0, s20;
	s19 =	spop (v2sf)  }
0x183: {  	[tilespmem:s16], [sflag:$0x1] =	stream.linear.gather [hbm4b:s17+s2], $0x80, $0x38;
	[tilespmem:$0x10200] =	vst v63  }
0x184: {  	s18 =	sadd.s32 s3, s18;
	s16 =	sand.u32 $0x1FFFFFF0, s19;
	s17 =	spop (v2sf)  }
0x185: {  	[tilespmem:s15], [sflag:$0x1] =	stream.linear.gather [hbm4b:s18+s2], $0x80, $0x38;
	[tilespmem:$0x10200] =	vst v63  }
0x186: {  	s11 =	sadd.s32 s3, s16;
	s13 =	sand.u32 $0x1FFFFFF0, s17;
	s26 =	spop (v2sf)  }
0x187: {  	[tilespmem:s14], [sflag:$0x1] =	stream.linear.gather [hbm4b:s11+s2], $0x80, $0x38;
	[tilespmem:$0x10200] =	vst v63  }
0x188: {  	s28 =	sadd.s32 $0x2100, s12;
	s13 =	sadd.s32 s3, s13;
	s29 =	sand.u32 $0x1FFFFFF0, s26  }
0x189: {  	[tilespmem:s28], [sflag:$0x1] =	stream.linear.gather [hbm4b:s13+s2], $0x80, $0x38;
	[tilespmem:$0x10200] =	vst v63  }
0x18a: {  	s30 =	sadd.s32 $0x2180, s12;
	s31 =	sadd.s32 s3, s29  }
0x18b: {  	[tilespmem:s30], [sflag:$0x1] =	stream.linear.gather [hbm4b:s31+s2], $0x80, $0x38;
	[tilespmem:$0x10200] =	vst v63  }
0x18c: {  	s10 =	sadd.s32 $0x1, s10;
	_ =	swait.ge [sflag:s8], $0x10000  }
0x18d: {  	p0 =	sne.s32 s10, s6;
	[sflag:s8] =	ssyncset.done $0x0  }
.Ltmp1:
0x18e: {  	[sflag:s8] =	ssyncadd.s32 $0xFFFF0000;
	(pc) =	sbr.rel @p0 .LBB2_1-.Ltmp1, $4  }
0x18f: {  	[hbm4b:s5+s2] =	stream.linear.scatter [tilespmem:s9], [sflag:$0x2], $0x10000, $0x38;
	[tilespmem:$0x10200] =	vst v63  }
0x190: {  	_ =	swait.ge [sflag:s7], $0x10000  }
0x191: {  	[sflag:s7] =	ssyncset.done $0x0  }
0x192: {  	[sflag:s7] =	ssyncadd.s32 $0xFFFF0000  }
0x193: {  	_ =	sfence.sel $0x180000  }
0x194: {  	[bflag:$0x0] =	sbarrier.arrive $0xFFFF  }
0x195: {  	p0 =	sne.s32 s1, $0x0;
	_ =	strace $0x90000047  }
0x196: {  	s0 =	sadd.s32 @!p0 $0x100000, s0;
	[bflag:$0x2] =	sbarrier.arrive $0xFFFF  }
0x197: {  	[sflag:s0] =	ssyncadd.tile.s32 @!p0 $0x1;
	_ =	shalt  }
.Lfunc_end2:
_tile_overlayer_lowered:
.L_overlay_start_2:
0x198: {  	(tag) =	ssettag $0x2  }
0x199: {  	s0 =	rddreg [dreg:$0x0];
	s2 =	stileid.u32  }
0x19a: {  	s1 =	rddreg [dreg:$0x1];
	p0 =	sne.s32 s2, $0x0  }
0x19b: {  	s3 =	rddreg [dreg:$0x2];
	[bflag:$0x3] =	sbarrier.arrive $0xFFFF;
	s2 =	simm.s32 @!p0 $0x1C02  }
0x19c: {  	[timem:s3], [sflag:s2] =	dma.local @!p0 [hbm:s0], s1  }
0x19d: {  	s0 =	simm.s32 @!p0 $0x2  }
0x19e: {  	_ =	swait.ge @!p0 [sflag:s0], s1  }
0x19f: {  	s1 =	ssub.s32 @!p0 $0x0, s1;
	[sflag:s0] =	ssyncset.done @!p0 $0x0  }
0x1a0: {  	[sflag:s0] =	ssyncadd.s32 @!p0 s1  }
0x1a1: {  	[bflag:$0x3] =	sbarrier.arrive $0xFFFF  }
0x1a2: {  	_ =	shalt  }

</sc_bundles>
